<compile_context>
chip_gen: v7x
topology: tpu7x:2x2x1
jax: 0.10.2.dev20260603
libtpu: 0.0.44.dev20260713+nightly
codegen_flags: <defaults>
</compile_context>

<pallas_src>
import functools

import jax
import jax.numpy as jnp
from jax import lax
from jax.experimental import pallas as pl
from jax.experimental.pallas import tpu as pltpu
from jax.experimental.pallas import tpu_sc as plsc

N0 = 10000
E0 = 320000
FD = 128
HD = FD // 2
SEG = 128

NCORE = 2
NSUB = 16
NTILES = NCORE * NSUB

NP = 10240
ROWS_PER_SUB = NP // NSUB

EC = 128
KE = 80
EP = NTILES * KE * EC

RPT = NP // NTILES
PC = 64
KP = RPT // PC
SEGP = 136

_mesh = plsc.VectorSubcoreMesh(core_axis_name="c", subcore_axis_name="s")


def _mish(v):
    sp = jnp.maximum(v, 0.0) + jnp.log1p(jnp.exp(-jnp.abs(v)))
    return v * jnp.tanh(sp)


def _deg_body(dst_hbm, ones_hbm, zeros_hbm, degp_hbm, idx_v, ones_v, deg_sp):
    c = lax.axis_index("c")
    s = lax.axis_index("s")
    w = c * NSUB + s
    pltpu.sync_copy(dst_hbm.at[w], idx_v)
    pltpu.sync_copy(ones_hbm, ones_v)
    pltpu.sync_copy(zeros_hbm, deg_sp.at[pl.ds(s * ROWS_PER_SUB, ROWS_PER_SUB)])
    plsc.subcore_barrier()

    @pl.loop(0, KE)
    def _(j):
        pltpu.sync_copy(ones_v, deg_sp.at[idx_v.at[j]], add=True)

    plsc.subcore_barrier()
    pltpu.sync_copy(
        deg_sp.at[pl.ds(s * ROWS_PER_SUB, ROWS_PER_SUB)],
        degp_hbm.at[c, pl.ds(s * ROWS_PER_SUB, ROWS_PER_SUB)],
    )


_deg_call = functools.partial(
    pl.kernel,
    out_type=jax.ShapeDtypeStruct((NCORE, NP, FD), jnp.float32),
    mesh=_mesh,
    scratch_types=[
        pltpu.VMEM((KE, EC), jnp.int32),
        pltpu.VMEM((EC, FD), jnp.float32),
        pltpu.VMEM_SHARED((NP, FD), jnp.float32),
    ],
)(_deg_body)


def _edge_body(h_hbm, src_hbm, dst_hbm, zeros_hbm, accp_hbm,
               sidx, d_a, d_b, rows_a, rows_b,
               sd_a, sd_b, sg_a, sg_b, acc_sp):
    c = lax.axis_index("c")
    s = lax.axis_index("s")
    w = c * NSUB + s
    pltpu.sync_copy(src_hbm.at[w], sidx)
    pltpu.sync_copy(zeros_hbm, acc_sp.at[pl.ds(s * ROWS_PER_SUB, ROWS_PER_SUB)])
    plsc.subcore_barrier()

    def didx_start(j, buf, sem):
        pltpu.async_copy(dst_hbm.at[w, j], buf.at[0], sem)

    def didx_wait(buf, sem):
        pltpu.make_async_copy(dst_hbm.at[w, 0], buf.at[0], sem).wait()

    def gather_start(j, buf, sem):
        pltpu.async_copy(h_hbm.at[sidx.at[j]], buf, sem)

    def gather_wait(buf, sem):
        pltpu.make_async_copy(h_hbm.at[pl.ds(0, EC)], buf, sem).wait()

    didx_start(0, d_a, sd_a)
    didx_start(1, d_b, sd_b)
    gather_start(0, rows_a, sg_a)
    gather_start(1, rows_b, sg_b)

    @pl.loop(0, KE, step=2)
    def _(j):
        didx_wait(d_a, sd_a)
        gather_wait(rows_a, sg_a)
        pltpu.sync_copy(rows_a, acc_sp.at[d_a.at[0]], add=True)

        @pl.when(j + 2 < KE)
        def _():
            didx_start(j + 2, d_a, sd_a)
            gather_start(j + 2, rows_a, sg_a)

        didx_wait(d_b, sd_b)
        gather_wait(rows_b, sg_b)
        pltpu.sync_copy(rows_b, acc_sp.at[d_b.at[0]], add=True)

        @pl.when(j + 3 < KE)
        def _():
            didx_start(j + 3, d_b, sd_b)
            gather_start(j + 3, rows_b, sg_b)

    plsc.subcore_barrier()
    pltpu.sync_copy(
        acc_sp.at[pl.ds(s * ROWS_PER_SUB, ROWS_PER_SUB)],
        accp_hbm.at[c, pl.ds(s * ROWS_PER_SUB, ROWS_PER_SUB)],
    )


_edge_call = functools.partial(
    pl.kernel,
    out_type=jax.ShapeDtypeStruct((NCORE, NP, FD), jnp.float32),
    mesh=_mesh,
    scratch_types=[
        pltpu.VMEM((KE, EC), jnp.int32),
        pltpu.VMEM((1, EC), jnp.int32),
        pltpu.VMEM((1, EC), jnp.int32),
        pltpu.VMEM((EC, FD), jnp.float32),
        pltpu.VMEM((EC, FD), jnp.float32),
        pltpu.SemaphoreType.DMA,
        pltpu.SemaphoreType.DMA,
        pltpu.SemaphoreType.DMA,
        pltpu.SemaphoreType.DMA,
        pltpu.VMEM_SHARED((NP, FD), jnp.float32),
    ],
)(_edge_body)


def _pool_body(x1_hbm, b_hbm, ones_hbm, zsum_hbm, zcnt_hbm,
               sums_hbm, cnt_hbm, bidx, xrows, ones_v, sums_sp, cnt_sp):
    c = lax.axis_index("c")
    s = lax.axis_index("s")
    w = c * NSUB + s
    pltpu.sync_copy(b_hbm.at[w], bidx)
    pltpu.sync_copy(x1_hbm.at[pl.ds(w * RPT, RPT)], xrows)
    pltpu.sync_copy(ones_hbm, ones_v)

    @pl.when(s == 0)
    def _():
        pltpu.sync_copy(zsum_hbm, sums_sp)
        pltpu.sync_copy(zcnt_hbm, cnt_sp)

    plsc.subcore_barrier()

    @pl.loop(0, KP)
    def _(j):
        pltpu.sync_copy(xrows.at[pl.ds(j * PC, PC)], sums_sp.at[bidx.at[j]],
                        add=True)
        pltpu.sync_copy(ones_v, cnt_sp.at[bidx.at[j]], add=True)

    plsc.subcore_barrier()

    @pl.when(s == 0)
    def _():
        pltpu.sync_copy(sums_sp, sums_hbm.at[c])
        pltpu.sync_copy(cnt_sp, cnt_hbm.at[c])


_pool_call = functools.partial(
    pl.kernel,
    out_type=(
        jax.ShapeDtypeStruct((NCORE, SEGP, FD), jnp.float32),
        jax.ShapeDtypeStruct((NCORE, SEGP, FD), jnp.float32),
    ),
    mesh=_mesh,
    scratch_types=[
        pltpu.VMEM((KP, PC), jnp.int32),
        pltpu.VMEM((RPT, FD), jnp.float32),
        pltpu.VMEM((PC, FD), jnp.float32),
        pltpu.VMEM_SHARED((SEGP, FD), jnp.float32),
        pltpu.VMEM_SHARED((SEGP, FD), jnp.float32),
    ],
)(_pool_body)


_ROWB = 1024


def _dinv_from(degp_ref):
    d = degp_ref[0, :, 0:1] + degp_ref[1, :, 0:1] + 1.0
    return lax.rsqrt(d)


def _t1_body(x_ref, degp_ref, w1_ref, h_ref, dv_ref):
    dinv = _dinv_from(degp_ref)
    h = lax.dot_general(x_ref[...], w1_ref[...], (((1,), (1,)), ((), ())),
                        preferred_element_type=jnp.float32)
    h_ref[...] = h * dinv
    dv_ref[...] = dinv


def _t2_body(accp_ref, hp_ref, dv_ref, w2_ref, b1_ref, out_ref):
    dinv = dv_ref[...]
    agg = dinv * (accp_ref[0] + accp_ref[1] + hp_ref[...]) + b1_ref[...]
    o1 = _mish(agg)
    h2 = lax.dot_general(o1, w2_ref[...], (((1,), (1,)), ((), ())),
                         preferred_element_type=jnp.float32)
    out_ref[...] = h2 * dinv


def _t3_body(accp_ref, hp_ref, dv_ref, wfc_ref, b2_ref, bfc_ref, x1_ref):
    dinv = dv_ref[...]
    agg = dinv * (accp_ref[0] + accp_ref[1] + hp_ref[...]) + b2_ref[...]
    o2 = _mish(agg)
    fc = lax.dot_general(o2, wfc_ref[...], (((1,), (1,)), ((), ())),
                         preferred_element_type=jnp.float32)
    x1_ref[...] = _mish(fc + bfc_ref[...])


def _t4_body(sums_ref, cnt_ref, g_ref, bt_ref, x2_ref):
    ssum = sums_ref[0, 0:SEG, :] + sums_ref[1, 0:SEG, :]
    cnt = cnt_ref[0, 0:SEG, 0:1] + cnt_ref[1, 0:SEG, 0:1]
    pooled = ssum / jnp.maximum(cnt, 1.0)
    mu = jnp.mean(pooled, axis=0, keepdims=True)
    var = jnp.mean((pooled - mu) ** 2, axis=0, keepdims=True)
    x2_ref[...] = (pooled - mu) * lax.rsqrt(var + 1e-5) * g_ref[...] + bt_ref[...]


_GRID = NP // _ROWB
_row_spec = pl.BlockSpec((_ROWB, FD), lambda i: (i, 0))
_degp_spec = pl.BlockSpec((NCORE, _ROWB, FD), lambda i: (0, i, 0))
_accp_spec = pl.BlockSpec((NCORE, _ROWB, FD), lambda i: (0, i, 0))
_dv_spec = pl.BlockSpec((_ROWB, 1), lambda i: (i, 0))
_w_spec = pl.BlockSpec((FD, FD), lambda i: (0, 0))
_b_spec = pl.BlockSpec((1, FD), lambda i: (0, 0))

_t1_call = pl.pallas_call(
    _t1_body,
    grid=(_GRID,),
    in_specs=[_row_spec, _degp_spec, _w_spec],
    out_specs=[_row_spec, _dv_spec],
    out_shape=[
        jax.ShapeDtypeStruct((NP, FD), jnp.float32),
        jax.ShapeDtypeStruct((NP, 1), jnp.float32),
    ],
)

_t2_call = pl.pallas_call(
    _t2_body,
    grid=(_GRID,),
    in_specs=[_accp_spec, _row_spec, _dv_spec, _w_spec, _b_spec],
    out_specs=_row_spec,
    out_shape=jax.ShapeDtypeStruct((NP, FD), jnp.float32),
)

_t3_call = pl.pallas_call(
    _t3_body,
    grid=(_GRID,),
    in_specs=[_accp_spec, _row_spec, _dv_spec, _w_spec, _b_spec, _b_spec],
    out_specs=_row_spec,
    out_shape=jax.ShapeDtypeStruct((NP, FD), jnp.float32),
)

_t4_call = pl.pallas_call(
    _t4_body,
    in_specs=[
        pl.BlockSpec((NCORE, SEGP, FD), lambda: (0, 0, 0)),
        pl.BlockSpec((NCORE, SEGP, FD), lambda: (0, 0, 0)),
        pl.BlockSpec((1, FD), lambda: (0, 0)),
        pl.BlockSpec((1, FD), lambda: (0, 0)),
    ],
    out_specs=pl.BlockSpec((SEG, FD), lambda: (0, 0)),
    out_shape=jax.ShapeDtypeStruct((SEG, FD), jnp.float32),
)


def kernel(x, edge_index, batch, W1, b1, W2, b2, Wfc, bfc, gamma, beta):
    f32 = jnp.float32
    i32 = jnp.int32

    ei = edge_index.astype(i32)
    pad_e = jnp.full((EP - E0,), N0, i32)
    src_r = jnp.concatenate([ei[0], pad_e]).reshape(NTILES, KE, EC)
    dst_r = jnp.concatenate([ei[1], pad_e]).reshape(NTILES, KE, EC)

    bt_r = jnp.concatenate(
        [batch.astype(i32), jnp.full((NP - N0,), SEG, i32)]
    ).reshape(NTILES, KP, PC)

    xp = jnp.pad(x, ((0, NP - N0), (0, 0)))

    ones_ec = jnp.ones((EC, FD), f32)
    ones_pc = jnp.ones((PC, FD), f32)
    zeros_rows = jnp.zeros((ROWS_PER_SUB, FD), f32)
    zeros_sum = jnp.zeros((SEGP, FD), f32)
    zeros_cnt = jnp.zeros((SEGP, FD), f32)

    degp = _deg_call(dst_r, ones_ec, zeros_rows)

    h1p, dinv = _t1_call(xp, degp, W1)
    acc1 = _edge_call(h1p, src_r, dst_r, zeros_rows)
    h2p = _t2_call(acc1, h1p, dinv, W2, b1.reshape(1, FD))
    acc2 = _edge_call(h2p, src_r, dst_r, zeros_rows)
    x1p = _t3_call(acc2, h2p, dinv, Wfc, b2.reshape(1, FD), bfc.reshape(1, FD))

    sums, cnt = _pool_call(x1p, bt_r, ones_pc, zeros_sum, zeros_cnt)
    x2 = _t4_call(sums, cnt, gamma.reshape(1, FD), beta.reshape(1, FD))

    return (x1p[:N0], x2)

# --- scband reference (transcript-rebuilt; emitter-appended) ---
"""Pipeline reference for scband-gnn-9079560863943 (READ-ONLY COPY).

The authoritative reference and input builder live on the scoring server;
editing this copy changes nothing except your own understanding.
"""

import jax, jax.numpy as jnp
import numpy as np

N = 10000
E = 320000
D = 128
H = 128
O = 128
G = 128


def mish(x):
    return x * jnp.tanh(jax.nn.softplus(x))


def gcn_conv(x, edge_index, W, b):
    # PyG GCNConv: add self-loops, symmetric normalization D^-1/2 (A+I) D^-1/2, linear first
    n = x.shape[0]
    src = edge_index[0]
    dst = edge_index[1]
    si = jnp.arange(n, dtype=src.dtype)
    src = jnp.concatenate([src, si])
    dst = jnp.concatenate([dst, si])
    h = x @ W.T
    deg = jnp.zeros((n,), dtype=h.dtype).at[dst].add(1.0)
    dinv = jnp.where(deg > 0, deg ** -0.5, 0.0)
    norm = dinv[src] * dinv[dst]
    msg = h[src] * norm[:, None]
    out = jnp.zeros((n, h.shape[1]), dtype=h.dtype).at[dst].add(msg)
    return out + b


def setup_inputs(seed: int = 0) -> dict:
    key = jax.random.key(seed)
    ks = jax.random.split(key, 12)
    x = jax.random.normal(ks[0], (N, D), dtype=jnp.float32)
    edge_index = jax.random.randint(ks[1], (2, E), 0, N, dtype=jnp.int64)
    batch = jnp.sort(jax.random.randint(ks[2], (N,), 0, G, dtype=jnp.int64))
    W1 = jax.random.normal(ks[3], (H, D), dtype=jnp.float32) * 0.05
    b1 = jnp.zeros((H,), dtype=jnp.float32)
    W2 = jax.random.normal(ks[4], (H, H), dtype=jnp.float32) * 0.05
    b2 = jnp.zeros((H,), dtype=jnp.float32)
    Wfc = jax.random.normal(ks[5], (O, H), dtype=jnp.float32) * 0.05
    bfc = jnp.zeros((O,), dtype=jnp.float32)
    gamma = jnp.ones((O,), dtype=jnp.float32)
    beta = jnp.zeros((O,), dtype=jnp.float32)
    return {"x": x, "edge_index": edge_index, "batch": batch,
            "W1": W1, "b1": b1, "W2": W2, "b2": b2,
            "Wfc": Wfc, "bfc": bfc, "gamma": gamma, "beta": beta}


def reference(x, edge_index, batch, W1, b1, W2, b2, Wfc, bfc, gamma, beta):
    out = mish(gcn_conv(x, edge_index, W1, b1))
    out = mish(gcn_conv(out, edge_index, W2, b2))
    x1 = mish(out @ Wfc.T + bfc)
    # global_mean_pool
    sums = jax.ops.segment_sum(x1, batch, num_segments=G)
    cnt = jax.ops.segment_sum(jnp.ones((x1.shape[0],), dtype=x1.dtype), batch, num_segments=G)
    pooled = sums / jnp.maximum(cnt, 1.0)[:, None]
    # BatchNorm1d (training-mode batch stats, biased variance)
    mu = pooled.mean(axis=0)
    var = pooled.var(axis=0)
    x2 = (pooled - mu) / jnp.sqrt(var + 1e-5) * gamma + beta
    return (x1, x2)

if __name__ == "__main__":
    import jax
    _d = setup_inputs()
    print(jax.jit(kernel)(*tuple(_d.values())))

</pallas_src>

<mosaic_0001>
#map = affine_map<(d0, d1) -> (0, 0, 0)>
#map1 = affine_map<(d0, d1) -> (0, 0)>
module attributes {stable_mosaic.version = 14 : i64} {
  func.func @_deg_body(%arg0: i32, %arg1: i32, %arg2: memref<32x80x128xi32, #tpu.memory_space<hbm>>, %arg3: memref<128x128xf32, #tpu.memory_space<hbm>>, %arg4: memref<640x128xf32, #tpu.memory_space<hbm>>, %arg5: memref<2x10240x128xf32, #tpu.memory_space<hbm>>, %arg6: memref<80x128xi32, #tpu.memory_space<vmem>>, %arg7: memref<128x128xf32, #tpu.memory_space<vmem>>, %arg8: memref<10240x128xf32, #tpu.memory_space<vmem_shared>>) attributes {dimension_semantics = [#tpu.dimension_semantics<core_parallel>, #tpu.dimension_semantics<subcore_parallel>], iteration_bounds = array<i64: 2, 16>, scalar_prefetch = 0 : i64, scratch_operands = 3 : i64, tpu.core_type = #tpu.core_type<sc_vector_subcore>, window_params = [{transform_indices = #map}, {transform_indices = #map1}, {transform_indices = #map1}, {transform_indices = #map}]} {
    %mul3A = arith.constant 16 : i32
    %mul3A_0 = arith.muli %arg0, %mul3A : i32
    %add3A = arith.addi %mul3A_0, %arg1 : i32
    "tpu.region"() ({
      %run_scoped3A = tpu.sem_alloc : memref<!tpu.dma_semaphore, #tpu.memory_space<semaphore_mem>>
      %dma_start3A = arith.constant 0 : i32
      %dma_start3A_12 = arith.constant 0 : i32
      %dma_start3A_13 = tpu.memref_slice %arg2[%add3A, %dma_start3A, %dma_start3A_12] : memref<32x80x128xi32, #tpu.memory_space<hbm>> -> memref<1x80x128xi32, #tpu.memory_space<hbm>>
      %dma_start3A_14 = tpu.memref_squeeze %dma_start3A_13 : memref<1x80x128xi32, #tpu.memory_space<hbm>> -> memref<80x128xi32, #tpu.memory_space<hbm>>
      %dma_start3A_15 = arith.constant 0 : i32
      %dma_start3A_16 = arith.constant 0 : i32
      %dma_start3A_17 = tpu.memref_slice %arg2[%add3A, %dma_start3A_15, %dma_start3A_16] : memref<32x80x128xi32, #tpu.memory_space<hbm>> -> memref<1x80x128xi32, #tpu.memory_space<hbm>>
      %dma_start3A_18 = tpu.memref_squeeze %dma_start3A_17 : memref<1x80x128xi32, #tpu.memory_space<hbm>> -> memref<80x128xi32, #tpu.memory_space<hbm>>
      tpu.enqueue_dma source(%dma_start3A_18 : memref<80x128xi32, #tpu.memory_space<hbm>>) target(%arg6 : memref<80x128xi32, #tpu.memory_space<vmem>>) target_semaphore(%run_scoped3A : memref<!tpu.dma_semaphore, #tpu.memory_space<semaphore_mem>>)
      %dma_wait3A = arith.constant 0 : i32
      %dma_wait3A_19 = arith.constant 0 : i32
      %dma_wait3A_20 = tpu.memref_slice %arg2[%add3A, %dma_wait3A, %dma_wait3A_19] : memref<32x80x128xi32, #tpu.memory_space<hbm>> -> memref<1x80x128xi32, #tpu.memory_space<hbm>>
      %dma_wait3A_21 = tpu.memref_squeeze %dma_wait3A_20 : memref<1x80x128xi32, #tpu.memory_space<hbm>> -> memref<80x128xi32, #tpu.memory_space<hbm>>
      %dma_wait3A_22 = arith.constant 0 : i32
      %dma_wait3A_23 = arith.constant 0 : i32
      %dma_wait3A_24 = tpu.memref_slice %arg2[%add3A, %dma_wait3A_22, %dma_wait3A_23] : memref<32x80x128xi32, #tpu.memory_space<hbm>> -> memref<1x80x128xi32, #tpu.memory_space<hbm>>
      %dma_wait3A_25 = tpu.memref_squeeze %dma_wait3A_24 : memref<1x80x128xi32, #tpu.memory_space<hbm>> -> memref<80x128xi32, #tpu.memory_space<hbm>>
      tpu.wait_dma2 semaphore(%run_scoped3A : memref<!tpu.dma_semaphore, #tpu.memory_space<semaphore_mem>>) src(%dma_wait3A_25 : memref<80x128xi32, #tpu.memory_space<hbm>>) dst(%arg6 : memref<80x128xi32, #tpu.memory_space<vmem>>)
      tpu.yield
    }) : () -> ()
    "tpu.region"() ({
      %run_scoped3A = tpu.sem_alloc : memref<!tpu.dma_semaphore, #tpu.memory_space<semaphore_mem>>
      tpu.enqueue_dma source(%arg3 : memref<128x128xf32, #tpu.memory_space<hbm>>) target(%arg7 : memref<128x128xf32, #tpu.memory_space<vmem>>) target_semaphore(%run_scoped3A : memref<!tpu.dma_semaphore, #tpu.memory_space<semaphore_mem>>)
      tpu.wait_dma2 semaphore(%run_scoped3A : memref<!tpu.dma_semaphore, #tpu.memory_space<semaphore_mem>>) src(%arg3 : memref<128x128xf32, #tpu.memory_space<hbm>>) dst(%arg7 : memref<128x128xf32, #tpu.memory_space<vmem>>)
      tpu.yield
    }) : () -> ()
    %mul3A_1 = arith.constant 640 : i32
    %mul3A_2 = arith.muli %arg1, %mul3A_1 : i32
    "tpu.region"() ({
      %run_scoped3A = tpu.sem_alloc : memref<!tpu.dma_semaphore, #tpu.memory_space<semaphore_mem>>
      %dma_start3A = arith.constant 0 : i32
      %dma_start3A_12 = tpu.memref_slice %arg8[%mul3A_2, %dma_start3A] : memref<10240x128xf32, #tpu.memory_space<vmem_shared>> -> memref<640x128xf32, #tpu.memory_space<vmem_shared>>
      tpu.enqueue_dma source(%arg4 : memref<640x128xf32, #tpu.memory_space<hbm>>) target(%dma_start3A_12 : memref<640x128xf32, #tpu.memory_space<vmem_shared>>) target_semaphore(%run_scoped3A : memref<!tpu.dma_semaphore, #tpu.memory_space<semaphore_mem>>)
      %dma_wait3A = arith.constant 0 : i32
      %dma_wait3A_13 = tpu.memref_slice %arg8[%mul3A_2, %dma_wait3A] : memref<10240x128xf32, #tpu.memory_space<vmem_shared>> -> memref<640x128xf32, #tpu.memory_space<vmem_shared>>
      tpu.wait_dma2 semaphore(%run_scoped3A : memref<!tpu.dma_semaphore, #tpu.memory_space<semaphore_mem>>) src(%arg4 : memref<640x128xf32, #tpu.memory_space<hbm>>) dst(%dma_wait3A_13 : memref<640x128xf32, #tpu.memory_space<vmem_shared>>)
      tpu.yield
    }) : () -> ()
    %barrier3A = arith.constant 0 : index
    tpu.barrier barrier_id(%barrier3A)
    %scan3A = arith.constant 0 : i32
    %scan3A_3 = arith.constant 80 : i32
    %scan3A_4 = arith.addi %scan3A, %scan3A_3 : i32
    %scan3A_5 = arith.constant 1 : i32
    scf.for %scan3A_12 = %scan3A to %scan3A_4 step %scan3A_5  : i32 {
      %mul3A_13 = arith.constant 1 : i32
      %mul3A_14 = arith.muli %scan3A_12, %mul3A_13 : i32
      %add3A_15 = arith.constant 0 : i32
      %add3A_16 = arith.addi %add3A_15, %mul3A_14 : i32
      "tpu.region"() ({
        %run_scoped3A = tpu.sem_alloc : memref<!tpu.dma_semaphore, #tpu.memory_space<semaphore_mem>>
        %dma_start3A = arith.constant 0 : i32
        %dma_start3A_17 = tpu.memref_slice %arg6[%add3A_16, %dma_start3A] : memref<80x128xi32, #tpu.memory_space<vmem>> -> memref<1x128xi32, #tpu.memory_space<vmem>>
        %dma_start3A_18 = tpu.memref_squeeze %dma_start3A_17 : memref<1x128xi32, #tpu.memory_space<vmem>> -> memref<128xi32, #tpu.memory_space<vmem>>
        %dma_start3A_19 = arith.constant 0 : i32
        %dma_start3A_20 = arith.constant 0 : i32
        %dma_start3A_21 = tpu.memref_slice %arg8[%dma_start3A_19, %dma_start3A_20] : memref<10240x128xf32, #tpu.memory_space<vmem_shared>> -> memref<10240x128xf32, #tpu.memory_space<vmem_shared>>
        tpu.enqueue_indirect_dma source(%arg7 : memref<128x128xf32, #tpu.memory_space<vmem>>) target(%dma_start3A_21 : memref<10240x128xf32, #tpu.memory_space<vmem_shared>>) offsets(%dma_start3A_18 : memref<128xi32, #tpu.memory_space<vmem>>) semaphore(%run_scoped3A : memref<!tpu.dma_semaphore, #tpu.memory_space<semaphore_mem>>) {add = true}
        %dma_wait3A = arith.constant 0 : i32
        %dma_wait3A_22 = tpu.memref_slice %arg6[%add3A_16, %dma_wait3A] : memref<80x128xi32, #tpu.memory_space<vmem>> -> memref<1x128xi32, #tpu.memory_space<vmem>>
        %dma_wait3A_23 = tpu.memref_squeeze %dma_wait3A_22 : memref<1x128xi32, #tpu.memory_space<vmem>> -> memref<128xi32, #tpu.memory_space<vmem>>
        %dma_wait3A_24 = arith.constant 0 : i32
        %dma_wait3A_25 = arith.constant 0 : i32
        %dma_wait3A_26 = tpu.memref_slice %arg8[%dma_wait3A_24, %dma_wait3A_25] : memref<10240x128xf32, #tpu.memory_space<vmem_shared>> -> memref<10240x128xf32, #tpu.memory_space<vmem_shared>>
        tpu.wait_indirect_dma semaphore(%run_scoped3A : memref<!tpu.dma_semaphore, #tpu.memory_space<semaphore_mem>>) src(%arg7 : memref<128x128xf32, #tpu.memory_space<vmem>>) dst(%dma_wait3A_26 : memref<10240x128xf32, #tpu.memory_space<vmem_shared>>)
        tpu.yield
      }) : () -> ()
    }
    %scan3A_6 = arith.constant 80 : i32
    %barrier3A_7 = arith.constant 0 : index
    tpu.barrier barrier_id(%barrier3A_7)
    %mul3A_8 = arith.constant 640 : i32
    %mul3A_9 = arith.muli %arg1, %mul3A_8 : i32
    %mul3A_10 = arith.constant 640 : i32
    %mul3A_11 = arith.muli %arg1, %mul3A_10 : i32
    "tpu.region"() ({
      %run_scoped3A = tpu.sem_alloc : memref<!tpu.dma_semaphore, #tpu.memory_space<semaphore_mem>>
      %dma_start3A = arith.constant 0 : i32
      %dma_start3A_12 = tpu.memref_slice %arg5[%arg0, %mul3A_11, %dma_start3A] : memref<2x10240x128xf32, #tpu.memory_space<hbm>> -> memref<1x640x128xf32, #tpu.memory_space<hbm>>
      %dma_start3A_13 = tpu.memref_squeeze %dma_start3A_12 : memref<1x640x128xf32, #tpu.memory_space<hbm>> -> memref<640x128xf32, #tpu.memory_space<hbm>>
      %dma_start3A_14 = arith.constant 0 : i32
      %dma_start3A_15 = tpu.memref_slice %arg8[%mul3A_9, %dma_start3A_14] : memref<10240x128xf32, #tpu.memory_space<vmem_shared>> -> memref<640x128xf32, #tpu.memory_space<vmem_shared>>
      tpu.enqueue_dma source(%dma_start3A_15 : memref<640x128xf32, #tpu.memory_space<vmem_shared>>) target(%dma_start3A_13 : memref<640x128xf32, #tpu.memory_space<hbm>>) target_semaphore(%run_scoped3A : memref<!tpu.dma_semaphore, #tpu.memory_space<semaphore_mem>>)
      %dma_wait3A = arith.constant 0 : i32
      %dma_wait3A_16 = tpu.memref_slice %arg5[%arg0, %mul3A_11, %dma_wait3A] : memref<2x10240x128xf32, #tpu.memory_space<hbm>> -> memref<1x640x128xf32, #tpu.memory_space<hbm>>
      %dma_wait3A_17 = tpu.memref_squeeze %dma_wait3A_16 : memref<1x640x128xf32, #tpu.memory_space<hbm>> -> memref<640x128xf32, #tpu.memory_space<hbm>>
      %dma_wait3A_18 = arith.constant 0 : i32
      %dma_wait3A_19 = tpu.memref_slice %arg8[%mul3A_9, %dma_wait3A_18] : memref<10240x128xf32, #tpu.memory_space<vmem_shared>> -> memref<640x128xf32, #tpu.memory_space<vmem_shared>>
      tpu.wait_dma2 semaphore(%run_scoped3A : memref<!tpu.dma_semaphore, #tpu.memory_space<semaphore_mem>>) src(%dma_wait3A_19 : memref<640x128xf32, #tpu.memory_space<vmem_shared>>) dst(%dma_wait3A_17 : memref<640x128xf32, #tpu.memory_space<hbm>>)
      tpu.yield
    }) : () -> ()
    return
  }
}

#map = affine_map<(d0, d1) -> (0, 0)>
#map1 = affine_map<(d0, d1) -> (0, 0, 0)>
module attributes {stable_mosaic.version = 14 : i64} {
  func.func @_pool_body(%arg0: i32, %arg1: i32, %arg2: memref<10240x128xf32, #tpu.memory_space<hbm>>, %arg3: memref<32x5x64xi32, #tpu.memory_space<hbm>>, %arg4: memref<64x128xf32, #tpu.memory_space<hbm>>, %arg5: memref<136x128xf32, #tpu.memory_space<hbm>>, %arg6: memref<136x128xf32, #tpu.memory_space<hbm>>, %arg7: memref<2x136x128xf32, #tpu.memory_space<hbm>>, %arg8: memref<2x136x128xf32, #tpu.memory_space<hbm>>, %arg9: memref<5x64xi32, #tpu.memory_space<vmem>>, %arg10: memref<320x128xf32, #tpu.memory_space<vmem>>, %arg11: memref<64x128xf32, #tpu.memory_space<vmem>>, %arg12: memref<136x128xf32, #tpu.memory_space<vmem_shared>>, %arg13: memref<136x128xf32, #tpu.memory_space<vmem_shared>>) attributes {dimension_semantics = [#tpu.dimension_semantics<core_parallel>, #tpu.dimension_semantics<subcore_parallel>], iteration_bounds = array<i64: 2, 16>, scalar_prefetch = 0 : i64, scratch_operands = 5 : i64, tpu.core_type = #tpu.core_type<sc_vector_subcore>, window_params = [{transform_indices = #map}, {transform_indices = #map1}, {transform_indices = #map}, {transform_indices = #map}, {transform_indices = #map}, {transform_indices = #map1}, {transform_indices = #map1}]} {
    %mul3A = arith.constant 16 : i32
    %mul3A_0 = arith.muli %arg0, %mul3A : i32
    %add3A = arith.addi %mul3A_0, %arg1 : i32
    "tpu.region"() ({
      %run_scoped3A = tpu.sem_alloc : memref<!tpu.dma_semaphore, #tpu.memory_space<semaphore_mem>>
      %dma_start3A = arith.constant 0 : i32
      %dma_start3A_15 = arith.constant 0 : i32
      %dma_start3A_16 = tpu.memref_slice %arg3[%add3A, %dma_start3A, %dma_start3A_15] : memref<32x5x64xi32, #tpu.memory_space<hbm>> -> memref<1x5x64xi32, #tpu.memory_space<hbm>>
      %dma_start3A_17 = tpu.memref_squeeze %dma_start3A_16 : memref<1x5x64xi32, #tpu.memory_space<hbm>> -> memref<5x64xi32, #tpu.memory_space<hbm>>
      %dma_start3A_18 = arith.constant 0 : i32
      %dma_start3A_19 = arith.constant 0 : i32
      %dma_start3A_20 = tpu.memref_slice %arg3[%add3A, %dma_start3A_18, %dma_start3A_19] : memref<32x5x64xi32, #tpu.memory_space<hbm>> -> memref<1x5x64xi32, #tpu.memory_space<hbm>>
      %dma_start3A_21 = tpu.memref_squeeze %dma_start3A_20 : memref<1x5x64xi32, #tpu.memory_space<hbm>> -> memref<5x64xi32, #tpu.memory_space<hbm>>
      tpu.enqueue_dma source(%dma_start3A_21 : memref<5x64xi32, #tpu.memory_space<hbm>>) target(%arg9 : memref<5x64xi32, #tpu.memory_space<vmem>>) target_semaphore(%run_scoped3A : memref<!tpu.dma_semaphore, #tpu.memory_space<semaphore_mem>>)
      %dma_wait3A = arith.constant 0 : i32
      %dma_wait3A_22 = arith.constant 0 : i32
      %dma_wait3A_23 = tpu.memref_slice %arg3[%add3A, %dma_wait3A, %dma_wait3A_22] : memref<32x5x64xi32, #tpu.memory_space<hbm>> -> memref<1x5x64xi32, #tpu.memory_space<hbm>>
      %dma_wait3A_24 = tpu.memref_squeeze %dma_wait3A_23 : memref<1x5x64xi32, #tpu.memory_space<hbm>> -> memref<5x64xi32, #tpu.memory_space<hbm>>
      %dma_wait3A_25 = arith.constant 0 : i32
      %dma_wait3A_26 = arith.constant 0 : i32
      %dma_wait3A_27 = tpu.memref_slice %arg3[%add3A, %dma_wait3A_25, %dma_wait3A_26] : memref<32x5x64xi32, #tpu.memory_space<hbm>> -> memref<1x5x64xi32, #tpu.memory_space<hbm>>
      %dma_wait3A_28 = tpu.memref_squeeze %dma_wait3A_27 : memref<1x5x64xi32, #tpu.memory_space<hbm>> -> memref<5x64xi32, #tpu.memory_space<hbm>>
      tpu.wait_dma2 semaphore(%run_scoped3A : memref<!tpu.dma_semaphore, #tpu.memory_space<semaphore_mem>>) src(%dma_wait3A_28 : memref<5x64xi32, #tpu.memory_space<hbm>>) dst(%arg9 : memref<5x64xi32, #tpu.memory_space<vmem>>)
      tpu.yield
    }) : () -> ()
    %mul3A_1 = arith.constant 320 : i32
    %mul3A_2 = arith.muli %add3A, %mul3A_1 : i32
    "tpu.region"() ({
      %run_scoped3A = tpu.sem_alloc : memref<!tpu.dma_semaphore, #tpu.memory_space<semaphore_mem>>
      %dma_start3A = arith.constant 0 : i32
      %dma_start3A_15 = tpu.memref_slice %arg2[%mul3A_2, %dma_start3A] : memref<10240x128xf32, #tpu.memory_space<hbm>> -> memref<320x128xf32, #tpu.memory_space<hbm>>
      %dma_start3A_16 = arith.constant 0 : i32
      %dma_start3A_17 = tpu.memref_slice %arg2[%mul3A_2, %dma_start3A_16] : memref<10240x128xf32, #tpu.memory_space<hbm>> -> memref<320x128xf32, #tpu.memory_space<hbm>>
      tpu.enqueue_dma source(%dma_start3A_17 : memref<320x128xf32, #tpu.memory_space<hbm>>) target(%arg10 : memref<320x128xf32, #tpu.memory_space<vmem>>) target_semaphore(%run_scoped3A : memref<!tpu.dma_semaphore, #tpu.memory_space<semaphore_mem>>)
      %dma_wait3A = arith.constant 0 : i32
      %dma_wait3A_18 = tpu.memref_slice %arg2[%mul3A_2, %dma_wait3A] : memref<10240x128xf32, #tpu.memory_space<hbm>> -> memref<320x128xf32, #tpu.memory_space<hbm>>
      %dma_wait3A_19 = arith.constant 0 : i32
      %dma_wait3A_20 = tpu.memref_slice %arg2[%mul3A_2, %dma_wait3A_19] : memref<10240x128xf32, #tpu.memory_space<hbm>> -> memref<320x128xf32, #tpu.memory_space<hbm>>
      tpu.wait_dma2 semaphore(%run_scoped3A : memref<!tpu.dma_semaphore, #tpu.memory_space<semaphore_mem>>) src(%dma_wait3A_20 : memref<320x128xf32, #tpu.memory_space<hbm>>) dst(%arg10 : memref<320x128xf32, #tpu.memory_space<vmem>>)
      tpu.yield
    }) : () -> ()
    "tpu.region"() ({
      %run_scoped3A = tpu.sem_alloc : memref<!tpu.dma_semaphore, #tpu.memory_space<semaphore_mem>>
      tpu.enqueue_dma source(%arg4 : memref<64x128xf32, #tpu.memory_space<hbm>>) target(%arg11 : memref<64x128xf32, #tpu.memory_space<vmem>>) target_semaphore(%run_scoped3A : memref<!tpu.dma_semaphore, #tpu.memory_space<semaphore_mem>>)
      tpu.wait_dma2 semaphore(%run_scoped3A : memref<!tpu.dma_semaphore, #tpu.memory_space<semaphore_mem>>) src(%arg4 : memref<64x128xf32, #tpu.memory_space<hbm>>) dst(%arg11 : memref<64x128xf32, #tpu.memory_space<vmem>>)
      tpu.yield
    }) : () -> ()
    %eq3A = arith.constant 0 : i32
    %eq3A_3 = arith.cmpi eq, %arg1, %eq3A : i32
    %convert_element_type3A = arith.extui %eq3A_3 : i1 to i32
    %cond3A = arith.constant 0 : i32
    %cond3A_4 = arith.cmpi ne, %convert_element_type3A, %cond3A : i32
    scf.if %cond3A_4 {
      "tpu.region"() ({
        %run_scoped3A = tpu.sem_alloc : memref<!tpu.dma_semaphore, #tpu.memory_space<semaphore_mem>>
        tpu.enqueue_dma source(%arg5 : memref<136x128xf32, #tpu.memory_space<hbm>>) target(%arg12 : memref<136x128xf32, #tpu.memory_space<vmem_shared>>) target_semaphore(%run_scoped3A : memref<!tpu.dma_semaphore, #tpu.memory_space<semaphore_mem>>)
        tpu.wait_dma2 semaphore(%run_scoped3A : memref<!tpu.dma_semaphore, #tpu.memory_space<semaphore_mem>>) src(%arg5 : memref<136x128xf32, #tpu.memory_space<hbm>>) dst(%arg12 : memref<136x128xf32, #tpu.memory_space<vmem_shared>>)
        tpu.yield
      }) : () -> ()
      "tpu.region"() ({
        %run_scoped3A = tpu.sem_alloc : memref<!tpu.dma_semaphore, #tpu.memory_space<semaphore_mem>>
        tpu.enqueue_dma source(%arg6 : memref<136x128xf32, #tpu.memory_space<hbm>>) target(%arg13 : memref<136x128xf32, #tpu.memory_space<vmem_shared>>) target_semaphore(%run_scoped3A : memref<!tpu.dma_semaphore, #tpu.memory_space<semaphore_mem>>)
        tpu.wait_dma2 semaphore(%run_scoped3A : memref<!tpu.dma_semaphore, #tpu.memory_space<semaphore_mem>>) src(%arg6 : memref<136x128xf32, #tpu.memory_space<hbm>>) dst(%arg13 : memref<136x128xf32, #tpu.memory_space<vmem_shared>>)
        tpu.yield
      }) : () -> ()
    } else {
    }
    %barrier3A = arith.constant 0 : index
    tpu.barrier barrier_id(%barrier3A)
    %scan3A = arith.constant 0 : i32
    %scan3A_5 = arith.constant 5 : i32
    %scan3A_6 = arith.addi %scan3A, %scan3A_5 : i32
    %scan3A_7 = arith.constant 1 : i32
    scf.for %scan3A_15 = %scan3A to %scan3A_6 step %scan3A_7  : i32 {
      %mul3A_16 = arith.constant 1 : i32
      %mul3A_17 = arith.muli %scan3A_15, %mul3A_16 : i32
      %add3A_18 = arith.constant 0 : i32
      %add3A_19 = arith.addi %add3A_18, %mul3A_17 : i32
      %mul3A_20 = arith.constant 64 : i32
      %mul3A_21 = arith.muli %add3A_19, %mul3A_20 : i32
      "tpu.region"() ({
        %run_scoped3A = tpu.sem_alloc : memref<!tpu.dma_semaphore, #tpu.memory_space<semaphore_mem>>
        %dma_start3A = arith.constant 0 : i32
        %dma_start3A_22 = tpu.memref_slice %arg10[%mul3A_21, %dma_start3A] : memref<320x128xf32, #tpu.memory_space<vmem>> -> memref<64x128xf32, #tpu.memory_space<vmem>>
        %dma_start3A_23 = arith.constant 0 : i32
        %dma_start3A_24 = tpu.memref_slice %arg9[%add3A_19, %dma_start3A_23] : memref<5x64xi32, #tpu.memory_space<vmem>> -> memref<1x64xi32, #tpu.memory_space<vmem>>
        %dma_start3A_25 = tpu.memref_squeeze %dma_start3A_24 : memref<1x64xi32, #tpu.memory_space<vmem>> -> memref<64xi32, #tpu.memory_space<vmem>>
        %dma_start3A_26 = arith.constant 0 : i32
        %dma_start3A_27 = arith.constant 0 : i32
        %dma_start3A_28 = tpu.memref_slice %arg12[%dma_start3A_26, %dma_start3A_27] : memref<136x128xf32, #tpu.memory_space<vmem_shared>> -> memref<136x128xf32, #tpu.memory_space<vmem_shared>>
        tpu.enqueue_indirect_dma source(%dma_start3A_22 : memref<64x128xf32, #tpu.memory_space<vmem>>) target(%dma_start3A_28 : memref<136x128xf32, #tpu.memory_space<vmem_shared>>) offsets(%dma_start3A_25 : memref<64xi32, #tpu.memory_space<vmem>>) semaphore(%run_scoped3A : memref<!tpu.dma_semaphore, #tpu.memory_space<semaphore_mem>>) {add = true}
        %dma_wait3A = arith.constant 0 : i32
        %dma_wait3A_29 = tpu.memref_slice %arg10[%mul3A_21, %dma_wait3A] : memref<320x128xf32, #tpu.memory_space<vmem>> -> memref<64x128xf32, #tpu.memory_space<vmem>>
        %dma_wait3A_30 = arith.constant 0 : i32
        %dma_wait3A_31 = tpu.memref_slice %arg9[%add3A_19, %dma_wait3A_30] : memref<5x64xi32, #tpu.memory_space<vmem>> -> memref<1x64xi32, #tpu.memory_space<vmem>>
        %dma_wait3A_32 = tpu.memref_squeeze %dma_wait3A_31 : memref<1x64xi32, #tpu.memory_space<vmem>> -> memref<64xi32, #tpu.memory_space<vmem>>
        %dma_wait3A_33 = arith.constant 0 : i32
        %dma_wait3A_34 = arith.constant 0 : i32
        %dma_wait3A_35 = tpu.memref_slice %arg12[%dma_wait3A_33, %dma_wait3A_34] : memref<136x128xf32, #tpu.memory_space<vmem_shared>> -> memref<136x128xf32, #tpu.memory_space<vmem_shared>>
        tpu.wait_indirect_dma semaphore(%run_scoped3A : memref<!tpu.dma_semaphore, #tpu.memory_space<semaphore_mem>>) src(%dma_wait3A_29 : memref<64x128xf32, #tpu.memory_space<vmem>>) dst(%dma_wait3A_35 : memref<136x128xf32, #tpu.memory_space<vmem_shared>>)
        tpu.yield
      }) : () -> ()
      "tpu.region"() ({
        %run_scoped3A = tpu.sem_alloc : memref<!tpu.dma_semaphore, #tpu.memory_space<semaphore_mem>>
        %dma_start3A = arith.constant 0 : i32
        %dma_start3A_22 = tpu.memref_slice %arg9[%add3A_19, %dma_start3A] : memref<5x64xi32, #tpu.memory_space<vmem>> -> memref<1x64xi32, #tpu.memory_space<vmem>>
        %dma_start3A_23 = tpu.memref_squeeze %dma_start3A_22 : memref<1x64xi32, #tpu.memory_space<vmem>> -> memref<64xi32, #tpu.memory_space<vmem>>
        %dma_start3A_24 = arith.constant 0 : i32
        %dma_start3A_25 = arith.constant 0 : i32
        %dma_start3A_26 = tpu.memref_slice %arg13[%dma_start3A_24, %dma_start3A_25] : memref<136x128xf32, #tpu.memory_space<vmem_shared>> -> memref<136x128xf32, #tpu.memory_space<vmem_shared>>
        tpu.enqueue_indirect_dma source(%arg11 : memref<64x128xf32, #tpu.memory_space<vmem>>) target(%dma_start3A_26 : memref<136x128xf32, #tpu.memory_space<vmem_shared>>) offsets(%dma_start3A_23 : memref<64xi32, #tpu.memory_space<vmem>>) semaphore(%run_scoped3A : memref<!tpu.dma_semaphore, #tpu.memory_space<semaphore_mem>>) {add = true}
        %dma_wait3A = arith.constant 0 : i32
        %dma_wait3A_27 = tpu.memref_slice %arg9[%add3A_19, %dma_wait3A] : memref<5x64xi32, #tpu.memory_space<vmem>> -> memref<1x64xi32, #tpu.memory_space<vmem>>
        %dma_wait3A_28 = tpu.memref_squeeze %dma_wait3A_27 : memref<1x64xi32, #tpu.memory_space<vmem>> -> memref<64xi32, #tpu.memory_space<vmem>>
        %dma_wait3A_29 = arith.constant 0 : i32
        %dma_wait3A_30 = arith.constant 0 : i32
        %dma_wait3A_31 = tpu.memref_slice %arg13[%dma_wait3A_29, %dma_wait3A_30] : memref<136x128xf32, #tpu.memory_space<vmem_shared>> -> memref<136x128xf32, #tpu.memory_space<vmem_shared>>
        tpu.wait_indirect_dma semaphore(%run_scoped3A : memref<!tpu.dma_semaphore, #tpu.memory_space<semaphore_mem>>) src(%arg11 : memref<64x128xf32, #tpu.memory_space<vmem>>) dst(%dma_wait3A_31 : memref<136x128xf32, #tpu.memory_space<vmem_shared>>)
        tpu.yield
      }) : () -> ()
    }
    %scan3A_8 = arith.constant 5 : i32
    %barrier3A_9 = arith.constant 0 : index
    tpu.barrier barrier_id(%barrier3A_9)
    %eq3A_10 = arith.constant 0 : i32
    %eq3A_11 = arith.cmpi eq, %arg1, %eq3A_10 : i32
    %convert_element_type3A_12 = arith.extui %eq3A_11 : i1 to i32
    %cond3A_13 = arith.constant 0 : i32
    %cond3A_14 = arith.cmpi ne, %convert_element_type3A_12, %cond3A_13 : i32
    scf.if %cond3A_14 {
      "tpu.region"() ({
        %run_scoped3A = tpu.sem_alloc : memref<!tpu.dma_semaphore, #tpu.memory_space<semaphore_mem>>
        %dma_start3A = arith.constant 0 : i32
        %dma_start3A_15 = arith.constant 0 : i32
        %dma_start3A_16 = tpu.memref_slice %arg7[%arg0, %dma_start3A, %dma_start3A_15] : memref<2x136x128xf32, #tpu.memory_space<hbm>> -> memref<1x136x128xf32, #tpu.memory_space<hbm>>
        %dma_start3A_17 = tpu.memref_squeeze %dma_start3A_16 : memref<1x136x128xf32, #tpu.memory_space<hbm>> -> memref<136x128xf32, #tpu.memory_space<hbm>>
        tpu.enqueue_dma source(%arg12 : memref<136x128xf32, #tpu.memory_space<vmem_shared>>) target(%dma_start3A_17 : memref<136x128xf32, #tpu.memory_space<hbm>>) target_semaphore(%run_scoped3A : memref<!tpu.dma_semaphore, #tpu.memory_space<semaphore_mem>>)
        %dma_wait3A = arith.constant 0 : i32
        %dma_wait3A_18 = arith.constant 0 : i32
        %dma_wait3A_19 = tpu.memref_slice %arg7[%arg0, %dma_wait3A, %dma_wait3A_18] : memref<2x136x128xf32, #tpu.memory_space<hbm>> -> memref<1x136x128xf32, #tpu.memory_space<hbm>>
        %dma_wait3A_20 = tpu.memref_squeeze %dma_wait3A_19 : memref<1x136x128xf32, #tpu.memory_space<hbm>> -> memref<136x128xf32, #tpu.memory_space<hbm>>
        tpu.wait_dma2 semaphore(%run_scoped3A : memref<!tpu.dma_semaphore, #tpu.memory_space<semaphore_mem>>) src(%arg12 : memref<136x128xf32, #tpu.memory_space<vmem_shared>>) dst(%dma_wait3A_20 : memref<136x128xf32, #tpu.memory_space<hbm>>)
        tpu.yield
      }) : () -> ()
      "tpu.region"() ({
        %run_scoped3A = tpu.sem_alloc : memref<!tpu.dma_semaphore, #tpu.memory_space<semaphore_mem>>
        %dma_start3A = arith.constant 0 : i32
        %dma_start3A_15 = arith.constant 0 : i32
        %dma_start3A_16 = tpu.memref_slice %arg8[%arg0, %dma_start3A, %dma_start3A_15] : memref<2x136x128xf32, #tpu.memory_space<hbm>> -> memref<1x136x128xf32, #tpu.memory_space<hbm>>
        %dma_start3A_17 = tpu.memref_squeeze %dma_start3A_16 : memref<1x136x128xf32, #tpu.memory_space<hbm>> -> memref<136x128xf32, #tpu.memory_space<hbm>>
        tpu.enqueue_dma source(%arg13 : memref<136x128xf32, #tpu.memory_space<vmem_shared>>) target(%dma_start3A_17 : memref<136x128xf32, #tpu.memory_space<hbm>>) target_semaphore(%run_scoped3A : memref<!tpu.dma_semaphore, #tpu.memory_space<semaphore_mem>>)
        %dma_wait3A = arith.constant 0 : i32
        %dma_wait3A_18 = arith.constant 0 : i32
        %dma_wait3A_19 = tpu.memref_slice %arg8[%arg0, %dma_wait3A, %dma_wait3A_18] : memref<2x136x128xf32, #tpu.memory_space<hbm>> -> memref<1x136x128xf32, #tpu.memory_space<hbm>>
        %dma_wait3A_20 = tpu.memref_squeeze %dma_wait3A_19 : memref<1x136x128xf32, #tpu.memory_space<hbm>> -> memref<136x128xf32, #tpu.memory_space<hbm>>
        tpu.wait_dma2 semaphore(%run_scoped3A : memref<!tpu.dma_semaphore, #tpu.memory_space<semaphore_mem>>) src(%arg13 : memref<136x128xf32, #tpu.memory_space<vmem_shared>>) dst(%dma_wait3A_20 : memref<136x128xf32, #tpu.memory_space<hbm>>)
        tpu.yield
      }) : () -> ()
    } else {
    }
    return
  }
}

#map = affine_map<(d0, d1) -> (0, 0)>
#map1 = affine_map<(d0, d1) -> (0, 0, 0)>
module attributes {stable_mosaic.version = 14 : i64} {
  func.func @_edge_body(%arg0: i32, %arg1: i32, %arg2: memref<10240x128xf32, #tpu.memory_space<hbm>>, %arg3: memref<32x80x128xi32, #tpu.memory_space<hbm>>, %arg4: memref<32x80x128xi32, #tpu.memory_space<hbm>>, %arg5: memref<640x128xf32, #tpu.memory_space<hbm>>, %arg6: memref<2x10240x128xf32, #tpu.memory_space<hbm>>, %arg7: memref<80x128xi32, #tpu.memory_space<vmem>>, %arg8: memref<1x128xi32, #tpu.memory_space<vmem>>, %arg9: memref<1x128xi32, #tpu.memory_space<vmem>>, %arg10: memref<128x128xf32, #tpu.memory_space<vmem>>, %arg11: memref<128x128xf32, #tpu.memory_space<vmem>>, %arg12: memref<!tpu.dma_semaphore, #tpu.memory_space<semaphore_mem>>, %arg13: memref<!tpu.dma_semaphore, #tpu.memory_space<semaphore_mem>>, %arg14: memref<!tpu.dma_semaphore, #tpu.memory_space<semaphore_mem>>, %arg15: memref<!tpu.dma_semaphore, #tpu.memory_space<semaphore_mem>>, %arg16: memref<10240x128xf32, #tpu.memory_space<vmem_shared>>) attributes {dimension_semantics = [#tpu.dimension_semantics<core_parallel>, #tpu.dimension_semantics<subcore_parallel>], iteration_bounds = array<i64: 2, 16>, scalar_prefetch = 0 : i64, scratch_operands = 10 : i64, tpu.core_type = #tpu.core_type<sc_vector_subcore>, window_params = [{transform_indices = #map}, {transform_indices = #map1}, {transform_indices = #map1}, {transform_indices = #map}, {transform_indices = #map1}]} {
    %mul3A = arith.constant 16 : i32
    %mul3A_0 = arith.muli %arg0, %mul3A : i32
    %add3A = arith.addi %mul3A_0, %arg1 : i32
    "tpu.region"() ({
      %run_scoped3A = tpu.sem_alloc : memref<!tpu.dma_semaphore, #tpu.memory_space<semaphore_mem>>
      %dma_start3A_53 = arith.constant 0 : i32
      %dma_start3A_54 = arith.constant 0 : i32
      %dma_start3A_55 = tpu.memref_slice %arg3[%add3A, %dma_start3A_53, %dma_start3A_54] : memref<32x80x128xi32, #tpu.memory_space<hbm>> -> memref<1x80x128xi32, #tpu.memory_space<hbm>>
      %dma_start3A_56 = tpu.memref_squeeze %dma_start3A_55 : memref<1x80x128xi32, #tpu.memory_space<hbm>> -> memref<80x128xi32, #tpu.memory_space<hbm>>
      %dma_start3A_57 = arith.constant 0 : i32
      %dma_start3A_58 = arith.constant 0 : i32
      %dma_start3A_59 = tpu.memref_slice %arg3[%add3A, %dma_start3A_57, %dma_start3A_58] : memref<32x80x128xi32, #tpu.memory_space<hbm>> -> memref<1x80x128xi32, #tpu.memory_space<hbm>>
      %dma_start3A_60 = tpu.memref_squeeze %dma_start3A_59 : memref<1x80x128xi32, #tpu.memory_space<hbm>> -> memref<80x128xi32, #tpu.memory_space<hbm>>
      tpu.enqueue_dma source(%dma_start3A_60 : memref<80x128xi32, #tpu.memory_space<hbm>>) target(%arg7 : memref<80x128xi32, #tpu.memory_space<vmem>>) target_semaphore(%run_scoped3A : memref<!tpu.dma_semaphore, #tpu.memory_space<semaphore_mem>>)
      %dma_wait3A = arith.constant 0 : i32
      %dma_wait3A_61 = arith.constant 0 : i32
      %dma_wait3A_62 = tpu.memref_slice %arg3[%add3A, %dma_wait3A, %dma_wait3A_61] : memref<32x80x128xi32, #tpu.memory_space<hbm>> -> memref<1x80x128xi32, #tpu.memory_space<hbm>>
      %dma_wait3A_63 = tpu.memref_squeeze %dma_wait3A_62 : memref<1x80x128xi32, #tpu.memory_space<hbm>> -> memref<80x128xi32, #tpu.memory_space<hbm>>
      %dma_wait3A_64 = arith.constant 0 : i32
      %dma_wait3A_65 = arith.constant 0 : i32
      %dma_wait3A_66 = tpu.memref_slice %arg3[%add3A, %dma_wait3A_64, %dma_wait3A_65] : memref<32x80x128xi32, #tpu.memory_space<hbm>> -> memref<1x80x128xi32, #tpu.memory_space<hbm>>
      %dma_wait3A_67 = tpu.memref_squeeze %dma_wait3A_66 : memref<1x80x128xi32, #tpu.memory_space<hbm>> -> memref<80x128xi32, #tpu.memory_space<hbm>>
      tpu.wait_dma2 semaphore(%run_scoped3A : memref<!tpu.dma_semaphore, #tpu.memory_space<semaphore_mem>>) src(%dma_wait3A_67 : memref<80x128xi32, #tpu.memory_space<hbm>>) dst(%arg7 : memref<80x128xi32, #tpu.memory_space<vmem>>)
      tpu.yield
    }) : () -> ()
    %mul3A_1 = arith.constant 640 : i32
    %mul3A_2 = arith.muli %arg1, %mul3A_1 : i32
    "tpu.region"() ({
      %run_scoped3A = tpu.sem_alloc : memref<!tpu.dma_semaphore, #tpu.memory_space<semaphore_mem>>
      %dma_start3A_53 = arith.constant 0 : i32
      %dma_start3A_54 = tpu.memref_slice %arg16[%mul3A_2, %dma_start3A_53] : memref<10240x128xf32, #tpu.memory_space<vmem_shared>> -> memref<640x128xf32, #tpu.memory_space<vmem_shared>>
      tpu.enqueue_dma source(%arg5 : memref<640x128xf32, #tpu.memory_space<hbm>>) target(%dma_start3A_54 : memref<640x128xf32, #tpu.memory_space<vmem_shared>>) target_semaphore(%run_scoped3A : memref<!tpu.dma_semaphore, #tpu.memory_space<semaphore_mem>>)
      %dma_wait3A = arith.constant 0 : i32
      %dma_wait3A_55 = tpu.memref_slice %arg16[%mul3A_2, %dma_wait3A] : memref<10240x128xf32, #tpu.memory_space<vmem_shared>> -> memref<640x128xf32, #tpu.memory_space<vmem_shared>>
      tpu.wait_dma2 semaphore(%run_scoped3A : memref<!tpu.dma_semaphore, #tpu.memory_space<semaphore_mem>>) src(%arg5 : memref<640x128xf32, #tpu.memory_space<hbm>>) dst(%dma_wait3A_55 : memref<640x128xf32, #tpu.memory_space<vmem_shared>>)
      tpu.yield
    }) : () -> ()
    %barrier3A = arith.constant 0 : index
    tpu.barrier barrier_id(%barrier3A)
    %dma_start3A = arith.constant 0 : i32
    %dma_start3A_3 = arith.constant 0 : i32
    %dma_start3A_4 = arith.constant 0 : i32
    %dma_start3A_5 = tpu.memref_slice %arg8[%dma_start3A_3, %dma_start3A_4] : memref<1x128xi32, #tpu.memory_space<vmem>> -> memref<1x128xi32, #tpu.memory_space<vmem>>
    %dma_start3A_6 = tpu.memref_squeeze %dma_start3A_5 : memref<1x128xi32, #tpu.memory_space<vmem>> -> memref<128xi32, #tpu.memory_space<vmem>>
    %dma_start3A_7 = arith.constant 0 : i32
    %dma_start3A_8 = tpu.memref_slice %arg4[%add3A, %dma_start3A, %dma_start3A_7] : memref<32x80x128xi32, #tpu.memory_space<hbm>> -> memref<1x1x128xi32, #tpu.memory_space<hbm>>
    %dma_start3A_9 = tpu.memref_squeeze %dma_start3A_8 : memref<1x1x128xi32, #tpu.memory_space<hbm>> -> memref<128xi32, #tpu.memory_space<hbm>>
    %dma_start3A_10 = arith.constant 0 : i32
    %dma_start3A_11 = tpu.memref_slice %arg8[%dma_start3A_3, %dma_start3A_10] : memref<1x128xi32, #tpu.memory_space<vmem>> -> memref<1x128xi32, #tpu.memory_space<vmem>>
    %dma_start3A_12 = tpu.memref_squeeze %dma_start3A_11 : memref<1x128xi32, #tpu.memory_space<vmem>> -> memref<128xi32, #tpu.memory_space<vmem>>
    %dma_start3A_13 = arith.constant 0 : i32
    %dma_start3A_14 = tpu.memref_slice %arg4[%add3A, %dma_start3A, %dma_start3A_13] : memref<32x80x128xi32, #tpu.memory_space<hbm>> -> memref<1x1x128xi32, #tpu.memory_space<hbm>>
    %dma_start3A_15 = tpu.memref_squeeze %dma_start3A_14 : memref<1x1x128xi32, #tpu.memory_space<hbm>> -> memref<128xi32, #tpu.memory_space<hbm>>
    tpu.enqueue_dma source(%dma_start3A_15 : memref<128xi32, #tpu.memory_space<hbm>>) target(%dma_start3A_12 : memref<128xi32, #tpu.memory_space<vmem>>) target_semaphore(%arg12 : memref<!tpu.dma_semaphore, #tpu.memory_space<semaphore_mem>>)
    %dma_start3A_16 = arith.constant 1 : i32
    %dma_start3A_17 = arith.constant 0 : i32
    %dma_start3A_18 = arith.constant 0 : i32
    %dma_start3A_19 = tpu.memref_slice %arg9[%dma_start3A_17, %dma_start3A_18] : memref<1x128xi32, #tpu.memory_space<vmem>> -> memref<1x128xi32, #tpu.memory_space<vmem>>
    %dma_start3A_20 = tpu.memref_squeeze %dma_start3A_19 : memref<1x128xi32, #tpu.memory_space<vmem>> -> memref<128xi32, #tpu.memory_space<vmem>>
    %dma_start3A_21 = arith.constant 0 : i32
    %dma_start3A_22 = tpu.memref_slice %arg4[%add3A, %dma_start3A_16, %dma_start3A_21] : memref<32x80x128xi32, #tpu.memory_space<hbm>> -> memref<1x1x128xi32, #tpu.memory_space<hbm>>
    %dma_start3A_23 = tpu.memref_squeeze %dma_start3A_22 : memref<1x1x128xi32, #tpu.memory_space<hbm>> -> memref<128xi32, #tpu.memory_space<hbm>>
    %dma_start3A_24 = arith.constant 0 : i32
    %dma_start3A_25 = tpu.memref_slice %arg9[%dma_start3A_17, %dma_start3A_24] : memref<1x128xi32, #tpu.memory_space<vmem>> -> memref<1x128xi32, #tpu.memory_space<vmem>>
    %dma_start3A_26 = tpu.memref_squeeze %dma_start3A_25 : memref<1x128xi32, #tpu.memory_space<vmem>> -> memref<128xi32, #tpu.memory_space<vmem>>
    %dma_start3A_27 = arith.constant 0 : i32
    %dma_start3A_28 = tpu.memref_slice %arg4[%add3A, %dma_start3A_16, %dma_start3A_27] : memref<32x80x128xi32, #tpu.memory_space<hbm>> -> memref<1x1x128xi32, #tpu.memory_space<hbm>>
    %dma_start3A_29 = tpu.memref_squeeze %dma_start3A_28 : memref<1x1x128xi32, #tpu.memory_space<hbm>> -> memref<128xi32, #tpu.memory_space<hbm>>
    tpu.enqueue_dma source(%dma_start3A_29 : memref<128xi32, #tpu.memory_space<hbm>>) target(%dma_start3A_26 : memref<128xi32, #tpu.memory_space<vmem>>) target_semaphore(%arg13 : memref<!tpu.dma_semaphore, #tpu.memory_space<semaphore_mem>>)
    %dma_start3A_30 = arith.constant 0 : i32
    %dma_start3A_31 = arith.constant 0 : i32
    %dma_start3A_32 = tpu.memref_slice %arg7[%dma_start3A_30, %dma_start3A_31] : memref<80x128xi32, #tpu.memory_space<vmem>> -> memref<1x128xi32, #tpu.memory_space<vmem>>
    %dma_start3A_33 = tpu.memref_squeeze %dma_start3A_32 : memref<1x128xi32, #tpu.memory_space<vmem>> -> memref<128xi32, #tpu.memory_space<vmem>>
    %dma_start3A_34 = arith.constant 0 : i32
    %dma_start3A_35 = arith.constant 0 : i32
    %dma_start3A_36 = tpu.memref_slice %arg2[%dma_start3A_34, %dma_start3A_35] : memref<10240x128xf32, #tpu.memory_space<hbm>> -> memref<10240x128xf32, #tpu.memory_space<hbm>>
    tpu.enqueue_indirect_dma source(%dma_start3A_36 : memref<10240x128xf32, #tpu.memory_space<hbm>>) target(%arg10 : memref<128x128xf32, #tpu.memory_space<vmem>>) offsets(%dma_start3A_33 : memref<128xi32, #tpu.memory_space<vmem>>) semaphore(%arg14 : memref<!tpu.dma_semaphore, #tpu.memory_space<semaphore_mem>>)
    %dma_start3A_37 = arith.constant 1 : i32
    %dma_start3A_38 = arith.constant 0 : i32
    %dma_start3A_39 = tpu.memref_slice %arg7[%dma_start3A_37, %dma_start3A_38] : memref<80x128xi32, #tpu.memory_space<vmem>> -> memref<1x128xi32, #tpu.memory_space<vmem>>
    %dma_start3A_40 = tpu.memref_squeeze %dma_start3A_39 : memref<1x128xi32, #tpu.memory_space<vmem>> -> memref<128xi32, #tpu.memory_space<vmem>>
    %dma_start3A_41 = arith.constant 0 : i32
    %dma_start3A_42 = arith.constant 0 : i32
    %dma_start3A_43 = tpu.memref_slice %arg2[%dma_start3A_41, %dma_start3A_42] : memref<10240x128xf32, #tpu.memory_space<hbm>> -> memref<10240x128xf32, #tpu.memory_space<hbm>>
    tpu.enqueue_indirect_dma source(%dma_start3A_43 : memref<10240x128xf32, #tpu.memory_space<hbm>>) target(%arg11 : memref<128x128xf32, #tpu.memory_space<vmem>>) offsets(%dma_start3A_40 : memref<128xi32, #tpu.memory_space<vmem>>) semaphore(%arg15 : memref<!tpu.dma_semaphore, #tpu.memory_space<semaphore_mem>>)
    %scan3A = arith.constant 0 : i32
    %scan3A_44 = arith.constant 40 : i32
    %scan3A_45 = arith.addi %scan3A, %scan3A_44 : i32
    %scan3A_46 = arith.constant 1 : i32
    scf.for %scan3A_53 = %scan3A to %scan3A_45 step %scan3A_46  : i32 {
      %mul3A_54 = arith.constant 2 : i32
      %mul3A_55 = arith.muli %scan3A_53, %mul3A_54 : i32
      %add3A_56 = arith.constant 0 : i32
      %add3A_57 = arith.addi %add3A_56, %mul3A_55 : i32
      %dma_wait3A = arith.constant 0 : i32
      %dma_wait3A_58 = arith.constant 0 : i32
      %dma_wait3A_59 = arith.constant 0 : i32
      %dma_wait3A_60 = tpu.memref_slice %arg8[%dma_wait3A_58, %dma_wait3A_59] : memref<1x128xi32, #tpu.memory_space<vmem>> -> memref<1x128xi32, #tpu.memory_space<vmem>>
      %dma_wait3A_61 = tpu.memref_squeeze %dma_wait3A_60 : memref<1x128xi32, #tpu.memory_space<vmem>> -> memref<128xi32, #tpu.memory_space<vmem>>
      %dma_wait3A_62 = arith.constant 0 : i32
      %dma_wait3A_63 = tpu.memref_slice %arg4[%add3A, %dma_wait3A, %dma_wait3A_62] : memref<32x80x128xi32, #tpu.memory_space<hbm>> -> memref<1x1x128xi32, #tpu.memory_space<hbm>>
      %dma_wait3A_64 = tpu.memref_squeeze %dma_wait3A_63 : memref<1x1x128xi32, #tpu.memory_space<hbm>> -> memref<128xi32, #tpu.memory_space<hbm>>
      %dma_wait3A_65 = arith.constant 0 : i32
      %dma_wait3A_66 = tpu.memref_slice %arg8[%dma_wait3A_58, %dma_wait3A_65] : memref<1x128xi32, #tpu.memory_space<vmem>> -> memref<1x128xi32, #tpu.memory_space<vmem>>
      %dma_wait3A_67 = tpu.memref_squeeze %dma_wait3A_66 : memref<1x128xi32, #tpu.memory_space<vmem>> -> memref<128xi32, #tpu.memory_space<vmem>>
      %dma_wait3A_68 = arith.constant 0 : i32
      %dma_wait3A_69 = tpu.memref_slice %arg4[%add3A, %dma_wait3A, %dma_wait3A_68] : memref<32x80x128xi32, #tpu.memory_space<hbm>> -> memref<1x1x128xi32, #tpu.memory_space<hbm>>
      %dma_wait3A_70 = tpu.memref_squeeze %dma_wait3A_69 : memref<1x1x128xi32, #tpu.memory_space<hbm>> -> memref<128xi32, #tpu.memory_space<hbm>>
      tpu.wait_dma2 semaphore(%arg12 : memref<!tpu.dma_semaphore, #tpu.memory_space<semaphore_mem>>) src(%dma_wait3A_70 : memref<128xi32, #tpu.memory_space<hbm>>) dst(%dma_wait3A_67 : memref<128xi32, #tpu.memory_space<vmem>>)
      %dma_wait3A_71 = arith.constant 0 : i32
      %dma_wait3A_72 = arith.constant 0 : i32
      %dma_wait3A_73 = tpu.memref_slice %arg2[%dma_wait3A_71, %dma_wait3A_72] : memref<10240x128xf32, #tpu.memory_space<hbm>> -> memref<128x128xf32, #tpu.memory_space<hbm>>
      %dma_wait3A_74 = arith.constant 0 : i32
      %dma_wait3A_75 = arith.constant 0 : i32
      %dma_wait3A_76 = tpu.memref_slice %arg2[%dma_wait3A_74, %dma_wait3A_75] : memref<10240x128xf32, #tpu.memory_space<hbm>> -> memref<128x128xf32, #tpu.memory_space<hbm>>
      tpu.wait_dma2 semaphore(%arg14 : memref<!tpu.dma_semaphore, #tpu.memory_space<semaphore_mem>>) src(%dma_wait3A_76 : memref<128x128xf32, #tpu.memory_space<hbm>>) dst(%arg10 : memref<128x128xf32, #tpu.memory_space<vmem>>)
      %run_scoped3A = arith.constant 0 : i32
      "tpu.region"() ({
        %run_scoped3A_109 = tpu.sem_alloc : memref<!tpu.dma_semaphore, #tpu.memory_space<semaphore_mem>>
        %dma_start3A_110 = arith.constant 0 : i32
        %dma_start3A_111 = tpu.memref_slice %arg8[%run_scoped3A, %dma_start3A_110] : memref<1x128xi32, #tpu.memory_space<vmem>> -> memref<1x128xi32, #tpu.memory_space<vmem>>
        %dma_start3A_112 = tpu.memref_squeeze %dma_start3A_111 : memref<1x128xi32, #tpu.memory_space<vmem>> -> memref<128xi32, #tpu.memory_space<vmem>>
        %dma_start3A_113 = arith.constant 0 : i32
        %dma_start3A_114 = arith.constant 0 : i32
        %dma_start3A_115 = tpu.memref_slice %arg16[%dma_start3A_113, %dma_start3A_114] : memref<10240x128xf32, #tpu.memory_space<vmem_shared>> -> memref<10240x128xf32, #tpu.memory_space<vmem_shared>>
        tpu.enqueue_indirect_dma source(%arg10 : memref<128x128xf32, #tpu.memory_space<vmem>>) target(%dma_start3A_115 : memref<10240x128xf32, #tpu.memory_space<vmem_shared>>) offsets(%dma_start3A_112 : memref<128xi32, #tpu.memory_space<vmem>>) semaphore(%run_scoped3A_109 : memref<!tpu.dma_semaphore, #tpu.memory_space<semaphore_mem>>) {add = true}
        %dma_wait3A_116 = arith.constant 0 : i32
        %dma_wait3A_117 = tpu.memref_slice %arg8[%run_scoped3A, %dma_wait3A_116] : memref<1x128xi32, #tpu.memory_space<vmem>> -> memref<1x128xi32, #tpu.memory_space<vmem>>
        %dma_wait3A_118 = tpu.memref_squeeze %dma_wait3A_117 : memref<1x128xi32, #tpu.memory_space<vmem>> -> memref<128xi32, #tpu.memory_space<vmem>>
        %dma_wait3A_119 = arith.constant 0 : i32
        %dma_wait3A_120 = arith.constant 0 : i32
        %dma_wait3A_121 = tpu.memref_slice %arg16[%dma_wait3A_119, %dma_wait3A_120] : memref<10240x128xf32, #tpu.memory_space<vmem_shared>> -> memref<10240x128xf32, #tpu.memory_space<vmem_shared>>
        tpu.wait_indirect_dma semaphore(%run_scoped3A_109 : memref<!tpu.dma_semaphore, #tpu.memory_space<semaphore_mem>>) src(%arg10 : memref<128x128xf32, #tpu.memory_space<vmem>>) dst(%dma_wait3A_121 : memref<10240x128xf32, #tpu.memory_space<vmem_shared>>)
        tpu.yield
      }) : () -> ()
      %add3A_77 = arith.constant 2 : i32
      %add3A_78 = arith.addi %add3A_57, %add3A_77 : i32
      %lt3A = arith.constant 80 : i32
      %lt3A_79 = arith.cmpi slt, %add3A_78, %lt3A : i32
      %convert_element_type3A = arith.extui %lt3A_79 : i1 to i32
      %cond3A = arith.constant 0 : i32
      %cond3A_80 = arith.cmpi ne, %convert_element_type3A, %cond3A : i32
      scf.if %cond3A_80 {
        %add3A_109 = arith.constant 2 : i32
        %add3A_110 = arith.addi %add3A_57, %add3A_109 : i32
        %dma_start3A_111 = arith.constant 0 : i32
        %dma_start3A_112 = arith.constant 0 : i32
        %dma_start3A_113 = tpu.memref_slice %arg8[%dma_start3A_111, %dma_start3A_112] : memref<1x128xi32, #tpu.memory_space<vmem>> -> memref<1x128xi32, #tpu.memory_space<vmem>>
        %dma_start3A_114 = tpu.memref_squeeze %dma_start3A_113 : memref<1x128xi32, #tpu.memory_space<vmem>> -> memref<128xi32, #tpu.memory_space<vmem>>
        %dma_start3A_115 = arith.constant 0 : i32
        %dma_start3A_116 = tpu.memref_slice %arg4[%add3A, %add3A_110, %dma_start3A_115] : memref<32x80x128xi32, #tpu.memory_space<hbm>> -> memref<1x1x128xi32, #tpu.memory_space<hbm>>
        %dma_start3A_117 = tpu.memref_squeeze %dma_start3A_116 : memref<1x1x128xi32, #tpu.memory_space<hbm>> -> memref<128xi32, #tpu.memory_space<hbm>>
        %dma_start3A_118 = arith.constant 0 : i32
        %dma_start3A_119 = tpu.memref_slice %arg8[%dma_start3A_111, %dma_start3A_118] : memref<1x128xi32, #tpu.memory_space<vmem>> -> memref<1x128xi32, #tpu.memory_space<vmem>>
        %dma_start3A_120 = tpu.memref_squeeze %dma_start3A_119 : memref<1x128xi32, #tpu.memory_space<vmem>> -> memref<128xi32, #tpu.memory_space<vmem>>
        %dma_start3A_121 = arith.constant 0 : i32
        %dma_start3A_122 = tpu.memref_slice %arg4[%add3A, %add3A_110, %dma_start3A_121] : memref<32x80x128xi32, #tpu.memory_space<hbm>> -> memref<1x1x128xi32, #tpu.memory_space<hbm>>
        %dma_start3A_123 = tpu.memref_squeeze %dma_start3A_122 : memref<1x1x128xi32, #tpu.memory_space<hbm>> -> memref<128xi32, #tpu.memory_space<hbm>>
        tpu.enqueue_dma source(%dma_start3A_123 : memref<128xi32, #tpu.memory_space<hbm>>) target(%dma_start3A_120 : memref<128xi32, #tpu.memory_space<vmem>>) target_semaphore(%arg12 : memref<!tpu.dma_semaphore, #tpu.memory_space<semaphore_mem>>)
        %add3A_124 = arith.constant 2 : i32
        %add3A_125 = arith.addi %add3A_57, %add3A_124 : i32
        %dma_start3A_126 = arith.constant 0 : i32
        %dma_start3A_127 = tpu.memref_slice %arg7[%add3A_125, %dma_start3A_126] : memref<80x128xi32, #tpu.memory_space<vmem>> -> memref<1x128xi32, #tpu.memory_space<vmem>>
        %dma_start3A_128 = tpu.memref_squeeze %dma_start3A_127 : memref<1x128xi32, #tpu.memory_space<vmem>> -> memref<128xi32, #tpu.memory_space<vmem>>
        %dma_start3A_129 = arith.constant 0 : i32
        %dma_start3A_130 = arith.constant 0 : i32
        %dma_start3A_131 = tpu.memref_slice %arg2[%dma_start3A_129, %dma_start3A_130] : memref<10240x128xf32, #tpu.memory_space<hbm>> -> memref<10240x128xf32, #tpu.memory_space<hbm>>
        tpu.enqueue_indirect_dma source(%dma_start3A_131 : memref<10240x128xf32, #tpu.memory_space<hbm>>) target(%arg10 : memref<128x128xf32, #tpu.memory_space<vmem>>) offsets(%dma_start3A_128 : memref<128xi32, #tpu.memory_space<vmem>>) semaphore(%arg14 : memref<!tpu.dma_semaphore, #tpu.memory_space<semaphore_mem>>)
      } else {
      }
      %dma_wait3A_81 = arith.constant 0 : i32
      %dma_wait3A_82 = arith.constant 0 : i32
      %dma_wait3A_83 = arith.constant 0 : i32
      %dma_wait3A_84 = tpu.memref_slice %arg9[%dma_wait3A_82, %dma_wait3A_83] : memref<1x128xi32, #tpu.memory_space<vmem>> -> memref<1x128xi32, #tpu.memory_space<vmem>>
      %dma_wait3A_85 = tpu.memref_squeeze %dma_wait3A_84 : memref<1x128xi32, #tpu.memory_space<vmem>> -> memref<128xi32, #tpu.memory_space<vmem>>
      %dma_wait3A_86 = arith.constant 0 : i32
      %dma_wait3A_87 = tpu.memref_slice %arg4[%add3A, %dma_wait3A_81, %dma_wait3A_86] : memref<32x80x128xi32, #tpu.memory_space<hbm>> -> memref<1x1x128xi32, #tpu.memory_space<hbm>>
      %dma_wait3A_88 = tpu.memref_squeeze %dma_wait3A_87 : memref<1x1x128xi32, #tpu.memory_space<hbm>> -> memref<128xi32, #tpu.memory_space<hbm>>
      %dma_wait3A_89 = arith.constant 0 : i32
      %dma_wait3A_90 = tpu.memref_slice %arg9[%dma_wait3A_82, %dma_wait3A_89] : memref<1x128xi32, #tpu.memory_space<vmem>> -> memref<1x128xi32, #tpu.memory_space<vmem>>
      %dma_wait3A_91 = tpu.memref_squeeze %dma_wait3A_90 : memref<1x128xi32, #tpu.memory_space<vmem>> -> memref<128xi32, #tpu.memory_space<vmem>>
      %dma_wait3A_92 = arith.constant 0 : i32
      %dma_wait3A_93 = tpu.memref_slice %arg4[%add3A, %dma_wait3A_81, %dma_wait3A_92] : memref<32x80x128xi32, #tpu.memory_space<hbm>> -> memref<1x1x128xi32, #tpu.memory_space<hbm>>
      %dma_wait3A_94 = tpu.memref_squeeze %dma_wait3A_93 : memref<1x1x128xi32, #tpu.memory_space<hbm>> -> memref<128xi32, #tpu.memory_space<hbm>>
      tpu.wait_dma2 semaphore(%arg13 : memref<!tpu.dma_semaphore, #tpu.memory_space<semaphore_mem>>) src(%dma_wait3A_94 : memref<128xi32, #tpu.memory_space<hbm>>) dst(%dma_wait3A_91 : memref<128xi32, #tpu.memory_space<vmem>>)
      %dma_wait3A_95 = arith.constant 0 : i32
      %dma_wait3A_96 = arith.constant 0 : i32
      %dma_wait3A_97 = tpu.memref_slice %arg2[%dma_wait3A_95, %dma_wait3A_96] : memref<10240x128xf32, #tpu.memory_space<hbm>> -> memref<128x128xf32, #tpu.memory_space<hbm>>
      %dma_wait3A_98 = arith.constant 0 : i32
      %dma_wait3A_99 = arith.constant 0 : i32
      %dma_wait3A_100 = tpu.memref_slice %arg2[%dma_wait3A_98, %dma_wait3A_99] : memref<10240x128xf32, #tpu.memory_space<hbm>> -> memref<128x128xf32, #tpu.memory_space<hbm>>
      tpu.wait_dma2 semaphore(%arg15 : memref<!tpu.dma_semaphore, #tpu.memory_space<semaphore_mem>>) src(%dma_wait3A_100 : memref<128x128xf32, #tpu.memory_space<hbm>>) dst(%arg11 : memref<128x128xf32, #tpu.memory_space<vmem>>)
      %run_scoped3A_101 = arith.constant 0 : i32
      "tpu.region"() ({
        %run_scoped3A_109 = tpu.sem_alloc : memref<!tpu.dma_semaphore, #tpu.memory_space<semaphore_mem>>
        %dma_start3A_110 = arith.constant 0 : i32
        %dma_start3A_111 = tpu.memref_slice %arg9[%run_scoped3A_101, %dma_start3A_110] : memref<1x128xi32, #tpu.memory_space<vmem>> -> memref<1x128xi32, #tpu.memory_space<vmem>>
        %dma_start3A_112 = tpu.memref_squeeze %dma_start3A_111 : memref<1x128xi32, #tpu.memory_space<vmem>> -> memref<128xi32, #tpu.memory_space<vmem>>
        %dma_start3A_113 = arith.constant 0 : i32
        %dma_start3A_114 = arith.constant 0 : i32
        %dma_start3A_115 = tpu.memref_slice %arg16[%dma_start3A_113, %dma_start3A_114] : memref<10240x128xf32, #tpu.memory_space<vmem_shared>> -> memref<10240x128xf32, #tpu.memory_space<vmem_shared>>
        tpu.enqueue_indirect_dma source(%arg11 : memref<128x128xf32, #tpu.memory_space<vmem>>) target(%dma_start3A_115 : memref<10240x128xf32, #tpu.memory_space<vmem_shared>>) offsets(%dma_start3A_112 : memref<128xi32, #tpu.memory_space<vmem>>) semaphore(%run_scoped3A_109 : memref<!tpu.dma_semaphore, #tpu.memory_space<semaphore_mem>>) {add = true}
        %dma_wait3A_116 = arith.constant 0 : i32
        %dma_wait3A_117 = tpu.memref_slice %arg9[%run_scoped3A_101, %dma_wait3A_116] : memref<1x128xi32, #tpu.memory_space<vmem>> -> memref<1x128xi32, #tpu.memory_space<vmem>>
        %dma_wait3A_118 = tpu.memref_squeeze %dma_wait3A_117 : memref<1x128xi32, #tpu.memory_space<vmem>> -> memref<128xi32, #tpu.memory_space<vmem>>
        %dma_wait3A_119 = arith.constant 0 : i32
        %dma_wait3A_120 = arith.constant 0 : i32
        %dma_wait3A_121 = tpu.memref_slice %arg16[%dma_wait3A_119, %dma_wait3A_120] : memref<10240x128xf32, #tpu.memory_space<vmem_shared>> -> memref<10240x128xf32, #tpu.memory_space<vmem_shared>>
        tpu.wait_indirect_dma semaphore(%run_scoped3A_109 : memref<!tpu.dma_semaphore, #tpu.memory_space<semaphore_mem>>) src(%arg11 : memref<128x128xf32, #tpu.memory_space<vmem>>) dst(%dma_wait3A_121 : memref<10240x128xf32, #tpu.memory_space<vmem_shared>>)
        tpu.yield
      }) : () -> ()
      %add3A_102 = arith.constant 3 : i32
      %add3A_103 = arith.addi %add3A_57, %add3A_102 : i32
      %lt3A_104 = arith.constant 80 : i32
      %lt3A_105 = arith.cmpi slt, %add3A_103, %lt3A_104 : i32
      %convert_element_type3A_106 = arith.extui %lt3A_105 : i1 to i32
      %cond3A_107 = arith.constant 0 : i32
      %cond3A_108 = arith.cmpi ne, %convert_element_type3A_106, %cond3A_107 : i32
      scf.if %cond3A_108 {
        %add3A_109 = arith.constant 3 : i32
        %add3A_110 = arith.addi %add3A_57, %add3A_109 : i32
        %dma_start3A_111 = arith.constant 0 : i32
        %dma_start3A_112 = arith.constant 0 : i32
        %dma_start3A_113 = tpu.memref_slice %arg9[%dma_start3A_111, %dma_start3A_112] : memref<1x128xi32, #tpu.memory_space<vmem>> -> memref<1x128xi32, #tpu.memory_space<vmem>>
        %dma_start3A_114 = tpu.memref_squeeze %dma_start3A_113 : memref<1x128xi32, #tpu.memory_space<vmem>> -> memref<128xi32, #tpu.memory_space<vmem>>
        %dma_start3A_115 = arith.constant 0 : i32
        %dma_start3A_116 = tpu.memref_slice %arg4[%add3A, %add3A_110, %dma_start3A_115] : memref<32x80x128xi32, #tpu.memory_space<hbm>> -> memref<1x1x128xi32, #tpu.memory_space<hbm>>
        %dma_start3A_117 = tpu.memref_squeeze %dma_start3A_116 : memref<1x1x128xi32, #tpu.memory_space<hbm>> -> memref<128xi32, #tpu.memory_space<hbm>>
        %dma_start3A_118 = arith.constant 0 : i32
        %dma_start3A_119 = tpu.memref_slice %arg9[%dma_start3A_111, %dma_start3A_118] : memref<1x128xi32, #tpu.memory_space<vmem>> -> memref<1x128xi32, #tpu.memory_space<vmem>>
        %dma_start3A_120 = tpu.memref_squeeze %dma_start3A_119 : memref<1x128xi32, #tpu.memory_space<vmem>> -> memref<128xi32, #tpu.memory_space<vmem>>
        %dma_start3A_121 = arith.constant 0 : i32
        %dma_start3A_122 = tpu.memref_slice %arg4[%add3A, %add3A_110, %dma_start3A_121] : memref<32x80x128xi32, #tpu.memory_space<hbm>> -> memref<1x1x128xi32, #tpu.memory_space<hbm>>
        %dma_start3A_123 = tpu.memref_squeeze %dma_start3A_122 : memref<1x1x128xi32, #tpu.memory_space<hbm>> -> memref<128xi32, #tpu.memory_space<hbm>>
        tpu.enqueue_dma source(%dma_start3A_123 : memref<128xi32, #tpu.memory_space<hbm>>) target(%dma_start3A_120 : memref<128xi32, #tpu.memory_space<vmem>>) target_semaphore(%arg13 : memref<!tpu.dma_semaphore, #tpu.memory_space<semaphore_mem>>)
        %add3A_124 = arith.constant 3 : i32
        %add3A_125 = arith.addi %add3A_57, %add3A_124 : i32
        %dma_start3A_126 = arith.constant 0 : i32
        %dma_start3A_127 = tpu.memref_slice %arg7[%add3A_125, %dma_start3A_126] : memref<80x128xi32, #tpu.memory_space<vmem>> -> memref<1x128xi32, #tpu.memory_space<vmem>>
        %dma_start3A_128 = tpu.memref_squeeze %dma_start3A_127 : memref<1x128xi32, #tpu.memory_space<vmem>> -> memref<128xi32, #tpu.memory_space<vmem>>
        %dma_start3A_129 = arith.constant 0 : i32
        %dma_start3A_130 = arith.constant 0 : i32
        %dma_start3A_131 = tpu.memref_slice %arg2[%dma_start3A_129, %dma_start3A_130] : memref<10240x128xf32, #tpu.memory_space<hbm>> -> memref<10240x128xf32, #tpu.memory_space<hbm>>
        tpu.enqueue_indirect_dma source(%dma_start3A_131 : memref<10240x128xf32, #tpu.memory_space<hbm>>) target(%arg11 : memref<128x128xf32, #tpu.memory_space<vmem>>) offsets(%dma_start3A_128 : memref<128xi32, #tpu.memory_space<vmem>>) semaphore(%arg15 : memref<!tpu.dma_semaphore, #tpu.memory_space<semaphore_mem>>)
      } else {
      }
    }
    %scan3A_47 = arith.constant 40 : i32
    %barrier3A_48 = arith.constant 0 : index
    tpu.barrier barrier_id(%barrier3A_48)
    %mul3A_49 = arith.constant 640 : i32
    %mul3A_50 = arith.muli %arg1, %mul3A_49 : i32
    %mul3A_51 = arith.constant 640 : i32
    %mul3A_52 = arith.muli %arg1, %mul3A_51 : i32
    "tpu.region"() ({
      %run_scoped3A = tpu.sem_alloc : memref<!tpu.dma_semaphore, #tpu.memory_space<semaphore_mem>>
      %dma_start3A_53 = arith.constant 0 : i32
      %dma_start3A_54 = tpu.memref_slice %arg6[%arg0, %mul3A_52, %dma_start3A_53] : memref<2x10240x128xf32, #tpu.memory_space<hbm>> -> memref<1x640x128xf32, #tpu.memory_space<hbm>>
      %dma_start3A_55 = tpu.memref_squeeze %dma_start3A_54 : memref<1x640x128xf32, #tpu.memory_space<hbm>> -> memref<640x128xf32, #tpu.memory_space<hbm>>
      %dma_start3A_56 = arith.constant 0 : i32
      %dma_start3A_57 = tpu.memref_slice %arg16[%mul3A_50, %dma_start3A_56] : memref<10240x128xf32, #tpu.memory_space<vmem_shared>> -> memref<640x128xf32, #tpu.memory_space<vmem_shared>>
      tpu.enqueue_dma source(%dma_start3A_57 : memref<640x128xf32, #tpu.memory_space<vmem_shared>>) target(%dma_start3A_55 : memref<640x128xf32, #tpu.memory_space<hbm>>) target_semaphore(%run_scoped3A : memref<!tpu.dma_semaphore, #tpu.memory_space<semaphore_mem>>)
      %dma_wait3A = arith.constant 0 : i32
      %dma_wait3A_58 = tpu.memref_slice %arg6[%arg0, %mul3A_52, %dma_wait3A] : memref<2x10240x128xf32, #tpu.memory_space<hbm>> -> memref<1x640x128xf32, #tpu.memory_space<hbm>>
      %dma_wait3A_59 = tpu.memref_squeeze %dma_wait3A_58 : memref<1x640x128xf32, #tpu.memory_space<hbm>> -> memref<640x128xf32, #tpu.memory_space<hbm>>
      %dma_wait3A_60 = arith.constant 0 : i32
      %dma_wait3A_61 = tpu.memref_slice %arg16[%mul3A_50, %dma_wait3A_60] : memref<10240x128xf32, #tpu.memory_space<vmem_shared>> -> memref<640x128xf32, #tpu.memory_space<vmem_shared>>
      tpu.wait_dma2 semaphore(%run_scoped3A : memref<!tpu.dma_semaphore, #tpu.memory_space<semaphore_mem>>) src(%dma_wait3A_61 : memref<640x128xf32, #tpu.memory_space<vmem_shared>>) dst(%dma_wait3A_59 : memref<640x128xf32, #tpu.memory_space<hbm>>)
      tpu.yield
    }) : () -> ()
    return
  }
}

#map = affine_map<(d0, d1) -> (0, 0)>
#map1 = affine_map<(d0, d1) -> (0, 0, 0)>
module attributes {stable_mosaic.version = 14 : i64} {
  func.func @_edge_body(%arg0: i32, %arg1: i32, %arg2: memref<10240x128xf32, #tpu.memory_space<hbm>>, %arg3: memref<32x80x128xi32, #tpu.memory_space<hbm>>, %arg4: memref<32x80x128xi32, #tpu.memory_space<hbm>>, %arg5: memref<640x128xf32, #tpu.memory_space<hbm>>, %arg6: memref<2x10240x128xf32, #tpu.memory_space<hbm>>, %arg7: memref<80x128xi32, #tpu.memory_space<vmem>>, %arg8: memref<1x128xi32, #tpu.memory_space<vmem>>, %arg9: memref<1x128xi32, #tpu.memory_space<vmem>>, %arg10: memref<128x128xf32, #tpu.memory_space<vmem>>, %arg11: memref<128x128xf32, #tpu.memory_space<vmem>>, %arg12: memref<!tpu.dma_semaphore, #tpu.memory_space<semaphore_mem>>, %arg13: memref<!tpu.dma_semaphore, #tpu.memory_space<semaphore_mem>>, %arg14: memref<!tpu.dma_semaphore, #tpu.memory_space<semaphore_mem>>, %arg15: memref<!tpu.dma_semaphore, #tpu.memory_space<semaphore_mem>>, %arg16: memref<10240x128xf32, #tpu.memory_space<vmem_shared>>) attributes {dimension_semantics = [#tpu.dimension_semantics<core_parallel>, #tpu.dimension_semantics<subcore_parallel>], iteration_bounds = array<i64: 2, 16>, scalar_prefetch = 0 : i64, scratch_operands = 10 : i64, tpu.core_type = #tpu.core_type<sc_vector_subcore>, window_params = [{transform_indices = #map}, {transform_indices = #map1}, {transform_indices = #map1}, {transform_indices = #map}, {transform_indices = #map1}]} {
    %mul3A = arith.constant 16 : i32
    %mul3A_0 = arith.muli %arg0, %mul3A : i32
    %add3A = arith.addi %mul3A_0, %arg1 : i32
    "tpu.region"() ({
      %run_scoped3A = tpu.sem_alloc : memref<!tpu.dma_semaphore, #tpu.memory_space<semaphore_mem>>
      %dma_start3A_53 = arith.constant 0 : i32
      %dma_start3A_54 = arith.constant 0 : i32
      %dma_start3A_55 = tpu.memref_slice %arg3[%add3A, %dma_start3A_53, %dma_start3A_54] : memref<32x80x128xi32, #tpu.memory_space<hbm>> -> memref<1x80x128xi32, #tpu.memory_space<hbm>>
      %dma_start3A_56 = tpu.memref_squeeze %dma_start3A_55 : memref<1x80x128xi32, #tpu.memory_space<hbm>> -> memref<80x128xi32, #tpu.memory_space<hbm>>
      %dma_start3A_57 = arith.constant 0 : i32
      %dma_start3A_58 = arith.constant 0 : i32
      %dma_start3A_59 = tpu.memref_slice %arg3[%add3A, %dma_start3A_57, %dma_start3A_58] : memref<32x80x128xi32, #tpu.memory_space<hbm>> -> memref<1x80x128xi32, #tpu.memory_space<hbm>>
      %dma_start3A_60 = tpu.memref_squeeze %dma_start3A_59 : memref<1x80x128xi32, #tpu.memory_space<hbm>> -> memref<80x128xi32, #tpu.memory_space<hbm>>
      tpu.enqueue_dma source(%dma_start3A_60 : memref<80x128xi32, #tpu.memory_space<hbm>>) target(%arg7 : memref<80x128xi32, #tpu.memory_space<vmem>>) target_semaphore(%run_scoped3A : memref<!tpu.dma_semaphore, #tpu.memory_space<semaphore_mem>>)
      %dma_wait3A = arith.constant 0 : i32
      %dma_wait3A_61 = arith.constant 0 : i32
      %dma_wait3A_62 = tpu.memref_slice %arg3[%add3A, %dma_wait3A, %dma_wait3A_61] : memref<32x80x128xi32, #tpu.memory_space<hbm>> -> memref<1x80x128xi32, #tpu.memory_space<hbm>>
      %dma_wait3A_63 = tpu.memref_squeeze %dma_wait3A_62 : memref<1x80x128xi32, #tpu.memory_space<hbm>> -> memref<80x128xi32, #tpu.memory_space<hbm>>
      %dma_wait3A_64 = arith.constant 0 : i32
      %dma_wait3A_65 = arith.constant 0 : i32
      %dma_wait3A_66 = tpu.memref_slice %arg3[%add3A, %dma_wait3A_64, %dma_wait3A_65] : memref<32x80x128xi32, #tpu.memory_space<hbm>> -> memref<1x80x128xi32, #tpu.memory_space<hbm>>
      %dma_wait3A_67 = tpu.memref_squeeze %dma_wait3A_66 : memref<1x80x128xi32, #tpu.memory_space<hbm>> -> memref<80x128xi32, #tpu.memory_space<hbm>>
      tpu.wait_dma2 semaphore(%run_scoped3A : memref<!tpu.dma_semaphore, #tpu.memory_space<semaphore_mem>>) src(%dma_wait3A_67 : memref<80x128xi32, #tpu.memory_space<hbm>>) dst(%arg7 : memref<80x128xi32, #tpu.memory_space<vmem>>)
      tpu.yield
    }) : () -> ()
    %mul3A_1 = arith.constant 640 : i32
    %mul3A_2 = arith.muli %arg1, %mul3A_1 : i32
    "tpu.region"() ({
      %run_scoped3A = tpu.sem_alloc : memref<!tpu.dma_semaphore, #tpu.memory_space<semaphore_mem>>
      %dma_start3A_53 = arith.constant 0 : i32
      %dma_start3A_54 = tpu.memref_slice %arg16[%mul3A_2, %dma_start3A_53] : memref<10240x128xf32, #tpu.memory_space<vmem_shared>> -> memref<640x128xf32, #tpu.memory_space<vmem_shared>>
      tpu.enqueue_dma source(%arg5 : memref<640x128xf32, #tpu.memory_space<hbm>>) target(%dma_start3A_54 : memref<640x128xf32, #tpu.memory_space<vmem_shared>>) target_semaphore(%run_scoped3A : memref<!tpu.dma_semaphore, #tpu.memory_space<semaphore_mem>>)
      %dma_wait3A = arith.constant 0 : i32
      %dma_wait3A_55 = tpu.memref_slice %arg16[%mul3A_2, %dma_wait3A] : memref<10240x128xf32, #tpu.memory_space<vmem_shared>> -> memref<640x128xf32, #tpu.memory_space<vmem_shared>>
      tpu.wait_dma2 semaphore(%run_scoped3A : memref<!tpu.dma_semaphore, #tpu.memory_space<semaphore_mem>>) src(%arg5 : memref<640x128xf32, #tpu.memory_space<hbm>>) dst(%dma_wait3A_55 : memref<640x128xf32, #tpu.memory_space<vmem_shared>>)
      tpu.yield
    }) : () -> ()
    %barrier3A = arith.constant 0 : index
    tpu.barrier barrier_id(%barrier3A)
    %dma_start3A = arith.constant 0 : i32
    %dma_start3A_3 = arith.constant 0 : i32
    %dma_start3A_4 = arith.constant 0 : i32
    %dma_start3A_5 = tpu.memref_slice %arg8[%dma_start3A_3, %dma_start3A_4] : memref<1x128xi32, #tpu.memory_space<vmem>> -> memref<1x128xi32, #tpu.memory_space<vmem>>
    %dma_start3A_6 = tpu.memref_squeeze %dma_start3A_5 : memref<1x128xi32, #tpu.memory_space<vmem>> -> memref<128xi32, #tpu.memory_space<vmem>>
    %dma_start3A_7 = arith.constant 0 : i32
    %dma_start3A_8 = tpu.memref_slice %arg4[%add3A, %dma_start3A, %dma_start3A_7] : memref<32x80x128xi32, #tpu.memory_space<hbm>> -> memref<1x1x128xi32, #tpu.memory_space<hbm>>
    %dma_start3A_9 = tpu.memref_squeeze %dma_start3A_8 : memref<1x1x128xi32, #tpu.memory_space<hbm>> -> memref<128xi32, #tpu.memory_space<hbm>>
    %dma_start3A_10 = arith.constant 0 : i32
    %dma_start3A_11 = tpu.memref_slice %arg8[%dma_start3A_3, %dma_start3A_10] : memref<1x128xi32, #tpu.memory_space<vmem>> -> memref<1x128xi32, #tpu.memory_space<vmem>>
    %dma_start3A_12 = tpu.memref_squeeze %dma_start3A_11 : memref<1x128xi32, #tpu.memory_space<vmem>> -> memref<128xi32, #tpu.memory_space<vmem>>
    %dma_start3A_13 = arith.constant 0 : i32
    %dma_start3A_14 = tpu.memref_slice %arg4[%add3A, %dma_start3A, %dma_start3A_13] : memref<32x80x128xi32, #tpu.memory_space<hbm>> -> memref<1x1x128xi32, #tpu.memory_space<hbm>>
    %dma_start3A_15 = tpu.memref_squeeze %dma_start3A_14 : memref<1x1x128xi32, #tpu.memory_space<hbm>> -> memref<128xi32, #tpu.memory_space<hbm>>
    tpu.enqueue_dma source(%dma_start3A_15 : memref<128xi32, #tpu.memory_space<hbm>>) target(%dma_start3A_12 : memref<128xi32, #tpu.memory_space<vmem>>) target_semaphore(%arg12 : memref<!tpu.dma_semaphore, #tpu.memory_space<semaphore_mem>>)
    %dma_start3A_16 = arith.constant 1 : i32
    %dma_start3A_17 = arith.constant 0 : i32
    %dma_start3A_18 = arith.constant 0 : i32
    %dma_start3A_19 = tpu.memref_slice %arg9[%dma_start3A_17, %dma_start3A_18] : memref<1x128xi32, #tpu.memory_space<vmem>> -> memref<1x128xi32, #tpu.memory_space<vmem>>
    %dma_start3A_20 = tpu.memref_squeeze %dma_start3A_19 : memref<1x128xi32, #tpu.memory_space<vmem>> -> memref<128xi32, #tpu.memory_space<vmem>>
    %dma_start3A_21 = arith.constant 0 : i32
    %dma_start3A_22 = tpu.memref_slice %arg4[%add3A, %dma_start3A_16, %dma_start3A_21] : memref<32x80x128xi32, #tpu.memory_space<hbm>> -> memref<1x1x128xi32, #tpu.memory_space<hbm>>
    %dma_start3A_23 = tpu.memref_squeeze %dma_start3A_22 : memref<1x1x128xi32, #tpu.memory_space<hbm>> -> memref<128xi32, #tpu.memory_space<hbm>>
    %dma_start3A_24 = arith.constant 0 : i32
    %dma_start3A_25 = tpu.memref_slice %arg9[%dma_start3A_17, %dma_start3A_24] : memref<1x128xi32, #tpu.memory_space<vmem>> -> memref<1x128xi32, #tpu.memory_space<vmem>>
    %dma_start3A_26 = tpu.memref_squeeze %dma_start3A_25 : memref<1x128xi32, #tpu.memory_space<vmem>> -> memref<128xi32, #tpu.memory_space<vmem>>
    %dma_start3A_27 = arith.constant 0 : i32
    %dma_start3A_28 = tpu.memref_slice %arg4[%add3A, %dma_start3A_16, %dma_start3A_27] : memref<32x80x128xi32, #tpu.memory_space<hbm>> -> memref<1x1x128xi32, #tpu.memory_space<hbm>>
    %dma_start3A_29 = tpu.memref_squeeze %dma_start3A_28 : memref<1x1x128xi32, #tpu.memory_space<hbm>> -> memref<128xi32, #tpu.memory_space<hbm>>
    tpu.enqueue_dma source(%dma_start3A_29 : memref<128xi32, #tpu.memory_space<hbm>>) target(%dma_start3A_26 : memref<128xi32, #tpu.memory_space<vmem>>) target_semaphore(%arg13 : memref<!tpu.dma_semaphore, #tpu.memory_space<semaphore_mem>>)
    %dma_start3A_30 = arith.constant 0 : i32
    %dma_start3A_31 = arith.constant 0 : i32
    %dma_start3A_32 = tpu.memref_slice %arg7[%dma_start3A_30, %dma_start3A_31] : memref<80x128xi32, #tpu.memory_space<vmem>> -> memref<1x128xi32, #tpu.memory_space<vmem>>
    %dma_start3A_33 = tpu.memref_squeeze %dma_start3A_32 : memref<1x128xi32, #tpu.memory_space<vmem>> -> memref<128xi32, #tpu.memory_space<vmem>>
    %dma_start3A_34 = arith.constant 0 : i32
    %dma_start3A_35 = arith.constant 0 : i32
    %dma_start3A_36 = tpu.memref_slice %arg2[%dma_start3A_34, %dma_start3A_35] : memref<10240x128xf32, #tpu.memory_space<hbm>> -> memref<10240x128xf32, #tpu.memory_space<hbm>>
    tpu.enqueue_indirect_dma source(%dma_start3A_36 : memref<10240x128xf32, #tpu.memory_space<hbm>>) target(%arg10 : memref<128x128xf32, #tpu.memory_space<vmem>>) offsets(%dma_start3A_33 : memref<128xi32, #tpu.memory_space<vmem>>) semaphore(%arg14 : memref<!tpu.dma_semaphore, #tpu.memory_space<semaphore_mem>>)
    %dma_start3A_37 = arith.constant 1 : i32
    %dma_start3A_38 = arith.constant 0 : i32
    %dma_start3A_39 = tpu.memref_slice %arg7[%dma_start3A_37, %dma_start3A_38] : memref<80x128xi32, #tpu.memory_space<vmem>> -> memref<1x128xi32, #tpu.memory_space<vmem>>
    %dma_start3A_40 = tpu.memref_squeeze %dma_start3A_39 : memref<1x128xi32, #tpu.memory_space<vmem>> -> memref<128xi32, #tpu.memory_space<vmem>>
    %dma_start3A_41 = arith.constant 0 : i32
    %dma_start3A_42 = arith.constant 0 : i32
    %dma_start3A_43 = tpu.memref_slice %arg2[%dma_start3A_41, %dma_start3A_42] : memref<10240x128xf32, #tpu.memory_space<hbm>> -> memref<10240x128xf32, #tpu.memory_space<hbm>>
    tpu.enqueue_indirect_dma source(%dma_start3A_43 : memref<10240x128xf32, #tpu.memory_space<hbm>>) target(%arg11 : memref<128x128xf32, #tpu.memory_space<vmem>>) offsets(%dma_start3A_40 : memref<128xi32, #tpu.memory_space<vmem>>) semaphore(%arg15 : memref<!tpu.dma_semaphore, #tpu.memory_space<semaphore_mem>>)
    %scan3A = arith.constant 0 : i32
    %scan3A_44 = arith.constant 40 : i32
    %scan3A_45 = arith.addi %scan3A, %scan3A_44 : i32
    %scan3A_46 = arith.constant 1 : i32
    scf.for %scan3A_53 = %scan3A to %scan3A_45 step %scan3A_46  : i32 {
      %mul3A_54 = arith.constant 2 : i32
      %mul3A_55 = arith.muli %scan3A_53, %mul3A_54 : i32
      %add3A_56 = arith.constant 0 : i32
      %add3A_57 = arith.addi %add3A_56, %mul3A_55 : i32
      %dma_wait3A = arith.constant 0 : i32
      %dma_wait3A_58 = arith.constant 0 : i32
      %dma_wait3A_59 = arith.constant 0 : i32
      %dma_wait3A_60 = tpu.memref_slice %arg8[%dma_wait3A_58, %dma_wait3A_59] : memref<1x128xi32, #tpu.memory_space<vmem>> -> memref<1x128xi32, #tpu.memory_space<vmem>>
      %dma_wait3A_61 = tpu.memref_squeeze %dma_wait3A_60 : memref<1x128xi32, #tpu.memory_space<vmem>> -> memref<128xi32, #tpu.memory_space<vmem>>
      %dma_wait3A_62 = arith.constant 0 : i32
      %dma_wait3A_63 = tpu.memref_slice %arg4[%add3A, %dma_wait3A, %dma_wait3A_62] : memref<32x80x128xi32, #tpu.memory_space<hbm>> -> memref<1x1x128xi32, #tpu.memory_space<hbm>>
      %dma_wait3A_64 = tpu.memref_squeeze %dma_wait3A_63 : memref<1x1x128xi32, #tpu.memory_space<hbm>> -> memref<128xi32, #tpu.memory_space<hbm>>
      %dma_wait3A_65 = arith.constant 0 : i32
      %dma_wait3A_66 = tpu.memref_slice %arg8[%dma_wait3A_58, %dma_wait3A_65] : memref<1x128xi32, #tpu.memory_space<vmem>> -> memref<1x128xi32, #tpu.memory_space<vmem>>
      %dma_wait3A_67 = tpu.memref_squeeze %dma_wait3A_66 : memref<1x128xi32, #tpu.memory_space<vmem>> -> memref<128xi32, #tpu.memory_space<vmem>>
      %dma_wait3A_68 = arith.constant 0 : i32
      %dma_wait3A_69 = tpu.memref_slice %arg4[%add3A, %dma_wait3A, %dma_wait3A_68] : memref<32x80x128xi32, #tpu.memory_space<hbm>> -> memref<1x1x128xi32, #tpu.memory_space<hbm>>
      %dma_wait3A_70 = tpu.memref_squeeze %dma_wait3A_69 : memref<1x1x128xi32, #tpu.memory_space<hbm>> -> memref<128xi32, #tpu.memory_space<hbm>>
      tpu.wait_dma2 semaphore(%arg12 : memref<!tpu.dma_semaphore, #tpu.memory_space<semaphore_mem>>) src(%dma_wait3A_70 : memref<128xi32, #tpu.memory_space<hbm>>) dst(%dma_wait3A_67 : memref<128xi32, #tpu.memory_space<vmem>>)
      %dma_wait3A_71 = arith.constant 0 : i32
      %dma_wait3A_72 = arith.constant 0 : i32
      %dma_wait3A_73 = tpu.memref_slice %arg2[%dma_wait3A_71, %dma_wait3A_72] : memref<10240x128xf32, #tpu.memory_space<hbm>> -> memref<128x128xf32, #tpu.memory_space<hbm>>
      %dma_wait3A_74 = arith.constant 0 : i32
      %dma_wait3A_75 = arith.constant 0 : i32
      %dma_wait3A_76 = tpu.memref_slice %arg2[%dma_wait3A_74, %dma_wait3A_75] : memref<10240x128xf32, #tpu.memory_space<hbm>> -> memref<128x128xf32, #tpu.memory_space<hbm>>
      tpu.wait_dma2 semaphore(%arg14 : memref<!tpu.dma_semaphore, #tpu.memory_space<semaphore_mem>>) src(%dma_wait3A_76 : memref<128x128xf32, #tpu.memory_space<hbm>>) dst(%arg10 : memref<128x128xf32, #tpu.memory_space<vmem>>)
      %run_scoped3A = arith.constant 0 : i32
      "tpu.region"() ({
        %run_scoped3A_109 = tpu.sem_alloc : memref<!tpu.dma_semaphore, #tpu.memory_space<semaphore_mem>>
        %dma_start3A_110 = arith.constant 0 : i32
        %dma_start3A_111 = tpu.memref_slice %arg8[%run_scoped3A, %dma_start3A_110] : memref<1x128xi32, #tpu.memory_space<vmem>> -> memref<1x128xi32, #tpu.memory_space<vmem>>
        %dma_start3A_112 = tpu.memref_squeeze %dma_start3A_111 : memref<1x128xi32, #tpu.memory_space<vmem>> -> memref<128xi32, #tpu.memory_space<vmem>>
        %dma_start3A_113 = arith.constant 0 : i32
        %dma_start3A_114 = arith.constant 0 : i32
        %dma_start3A_115 = tpu.memref_slice %arg16[%dma_start3A_113, %dma_start3A_114] : memref<10240x128xf32, #tpu.memory_space<vmem_shared>> -> memref<10240x128xf32, #tpu.memory_space<vmem_shared>>
        tpu.enqueue_indirect_dma source(%arg10 : memref<128x128xf32, #tpu.memory_space<vmem>>) target(%dma_start3A_115 : memref<10240x128xf32, #tpu.memory_space<vmem_shared>>) offsets(%dma_start3A_112 : memref<128xi32, #tpu.memory_space<vmem>>) semaphore(%run_scoped3A_109 : memref<!tpu.dma_semaphore, #tpu.memory_space<semaphore_mem>>) {add = true}
        %dma_wait3A_116 = arith.constant 0 : i32
        %dma_wait3A_117 = tpu.memref_slice %arg8[%run_scoped3A, %dma_wait3A_116] : memref<1x128xi32, #tpu.memory_space<vmem>> -> memref<1x128xi32, #tpu.memory_space<vmem>>
        %dma_wait3A_118 = tpu.memref_squeeze %dma_wait3A_117 : memref<1x128xi32, #tpu.memory_space<vmem>> -> memref<128xi32, #tpu.memory_space<vmem>>
        %dma_wait3A_119 = arith.constant 0 : i32
        %dma_wait3A_120 = arith.constant 0 : i32
        %dma_wait3A_121 = tpu.memref_slice %arg16[%dma_wait3A_119, %dma_wait3A_120] : memref<10240x128xf32, #tpu.memory_space<vmem_shared>> -> memref<10240x128xf32, #tpu.memory_space<vmem_shared>>
        tpu.wait_indirect_dma semaphore(%run_scoped3A_109 : memref<!tpu.dma_semaphore, #tpu.memory_space<semaphore_mem>>) src(%arg10 : memref<128x128xf32, #tpu.memory_space<vmem>>) dst(%dma_wait3A_121 : memref<10240x128xf32, #tpu.memory_space<vmem_shared>>)
        tpu.yield
      }) : () -> ()
      %add3A_77 = arith.constant 2 : i32
      %add3A_78 = arith.addi %add3A_57, %add3A_77 : i32
      %lt3A = arith.constant 80 : i32
      %lt3A_79 = arith.cmpi slt, %add3A_78, %lt3A : i32
      %convert_element_type3A = arith.extui %lt3A_79 : i1 to i32
      %cond3A = arith.constant 0 : i32
      %cond3A_80 = arith.cmpi ne, %convert_element_type3A, %cond3A : i32
      scf.if %cond3A_80 {
        %add3A_109 = arith.constant 2 : i32
        %add3A_110 = arith.addi %add3A_57, %add3A_109 : i32
        %dma_start3A_111 = arith.constant 0 : i32
        %dma_start3A_112 = arith.constant 0 : i32
        %dma_start3A_113 = tpu.memref_slice %arg8[%dma_start3A_111, %dma_start3A_112] : memref<1x128xi32, #tpu.memory_space<vmem>> -> memref<1x128xi32, #tpu.memory_space<vmem>>
        %dma_start3A_114 = tpu.memref_squeeze %dma_start3A_113 : memref<1x128xi32, #tpu.memory_space<vmem>> -> memref<128xi32, #tpu.memory_space<vmem>>
        %dma_start3A_115 = arith.constant 0 : i32
        %dma_start3A_116 = tpu.memref_slice %arg4[%add3A, %add3A_110, %dma_start3A_115] : memref<32x80x128xi32, #tpu.memory_space<hbm>> -> memref<1x1x128xi32, #tpu.memory_space<hbm>>
        %dma_start3A_117 = tpu.memref_squeeze %dma_start3A_116 : memref<1x1x128xi32, #tpu.memory_space<hbm>> -> memref<128xi32, #tpu.memory_space<hbm>>
        %dma_start3A_118 = arith.constant 0 : i32
        %dma_start3A_119 = tpu.memref_slice %arg8[%dma_start3A_111, %dma_start3A_118] : memref<1x128xi32, #tpu.memory_space<vmem>> -> memref<1x128xi32, #tpu.memory_space<vmem>>
        %dma_start3A_120 = tpu.memref_squeeze %dma_start3A_119 : memref<1x128xi32, #tpu.memory_space<vmem>> -> memref<128xi32, #tpu.memory_space<vmem>>
        %dma_start3A_121 = arith.constant 0 : i32
        %dma_start3A_122 = tpu.memref_slice %arg4[%add3A, %add3A_110, %dma_start3A_121] : memref<32x80x128xi32, #tpu.memory_space<hbm>> -> memref<1x1x128xi32, #tpu.memory_space<hbm>>
        %dma_start3A_123 = tpu.memref_squeeze %dma_start3A_122 : memref<1x1x128xi32, #tpu.memory_space<hbm>> -> memref<128xi32, #tpu.memory_space<hbm>>
        tpu.enqueue_dma source(%dma_start3A_123 : memref<128xi32, #tpu.memory_space<hbm>>) target(%dma_start3A_120 : memref<128xi32, #tpu.memory_space<vmem>>) target_semaphore(%arg12 : memref<!tpu.dma_semaphore, #tpu.memory_space<semaphore_mem>>)
        %add3A_124 = arith.constant 2 : i32
        %add3A_125 = arith.addi %add3A_57, %add3A_124 : i32
        %dma_start3A_126 = arith.constant 0 : i32
        %dma_start3A_127 = tpu.memref_slice %arg7[%add3A_125, %dma_start3A_126] : memref<80x128xi32, #tpu.memory_space<vmem>> -> memref<1x128xi32, #tpu.memory_space<vmem>>
        %dma_start3A_128 = tpu.memref_squeeze %dma_start3A_127 : memref<1x128xi32, #tpu.memory_space<vmem>> -> memref<128xi32, #tpu.memory_space<vmem>>
        %dma_start3A_129 = arith.constant 0 : i32
        %dma_start3A_130 = arith.constant 0 : i32
        %dma_start3A_131 = tpu.memref_slice %arg2[%dma_start3A_129, %dma_start3A_130] : memref<10240x128xf32, #tpu.memory_space<hbm>> -> memref<10240x128xf32, #tpu.memory_space<hbm>>
        tpu.enqueue_indirect_dma source(%dma_start3A_131 : memref<10240x128xf32, #tpu.memory_space<hbm>>) target(%arg10 : memref<128x128xf32, #tpu.memory_space<vmem>>) offsets(%dma_start3A_128 : memref<128xi32, #tpu.memory_space<vmem>>) semaphore(%arg14 : memref<!tpu.dma_semaphore, #tpu.memory_space<semaphore_mem>>)
      } else {
      }
      %dma_wait3A_81 = arith.constant 0 : i32
      %dma_wait3A_82 = arith.constant 0 : i32
      %dma_wait3A_83 = arith.constant 0 : i32
      %dma_wait3A_84 = tpu.memref_slice %arg9[%dma_wait3A_82, %dma_wait3A_83] : memref<1x128xi32, #tpu.memory_space<vmem>> -> memref<1x128xi32, #tpu.memory_space<vmem>>
      %dma_wait3A_85 = tpu.memref_squeeze %dma_wait3A_84 : memref<1x128xi32, #tpu.memory_space<vmem>> -> memref<128xi32, #tpu.memory_space<vmem>>
      %dma_wait3A_86 = arith.constant 0 : i32
      %dma_wait3A_87 = tpu.memref_slice %arg4[%add3A, %dma_wait3A_81, %dma_wait3A_86] : memref<32x80x128xi32, #tpu.memory_space<hbm>> -> memref<1x1x128xi32, #tpu.memory_space<hbm>>
      %dma_wait3A_88 = tpu.memref_squeeze %dma_wait3A_87 : memref<1x1x128xi32, #tpu.memory_space<hbm>> -> memref<128xi32, #tpu.memory_space<hbm>>
      %dma_wait3A_89 = arith.constant 0 : i32
      %dma_wait3A_90 = tpu.memref_slice %arg9[%dma_wait3A_82, %dma_wait3A_89] : memref<1x128xi32, #tpu.memory_space<vmem>> -> memref<1x128xi32, #tpu.memory_space<vmem>>
      %dma_wait3A_91 = tpu.memref_squeeze %dma_wait3A_90 : memref<1x128xi32, #tpu.memory_space<vmem>> -> memref<128xi32, #tpu.memory_space<vmem>>
      %dma_wait3A_92 = arith.constant 0 : i32
      %dma_wait3A_93 = tpu.memref_slice %arg4[%add3A, %dma_wait3A_81, %dma_wait3A_92] : memref<32x80x128xi32, #tpu.memory_space<hbm>> -> memref<1x1x128xi32, #tpu.memory_space<hbm>>
      %dma_wait3A_94 = tpu.memref_squeeze %dma_wait3A_93 : memref<1x1x128xi32, #tpu.memory_space<hbm>> -> memref<128xi32, #tpu.memory_space<hbm>>
      tpu.wait_dma2 semaphore(%arg13 : memref<!tpu.dma_semaphore, #tpu.memory_space<semaphore_mem>>) src(%dma_wait3A_94 : memref<128xi32, #tpu.memory_space<hbm>>) dst(%dma_wait3A_91 : memref<128xi32, #tpu.memory_space<vmem>>)
      %dma_wait3A_95 = arith.constant 0 : i32
      %dma_wait3A_96 = arith.constant 0 : i32
      %dma_wait3A_97 = tpu.memref_slice %arg2[%dma_wait3A_95, %dma_wait3A_96] : memref<10240x128xf32, #tpu.memory_space<hbm>> -> memref<128x128xf32, #tpu.memory_space<hbm>>
      %dma_wait3A_98 = arith.constant 0 : i32
      %dma_wait3A_99 = arith.constant 0 : i32
      %dma_wait3A_100 = tpu.memref_slice %arg2[%dma_wait3A_98, %dma_wait3A_99] : memref<10240x128xf32, #tpu.memory_space<hbm>> -> memref<128x128xf32, #tpu.memory_space<hbm>>
      tpu.wait_dma2 semaphore(%arg15 : memref<!tpu.dma_semaphore, #tpu.memory_space<semaphore_mem>>) src(%dma_wait3A_100 : memref<128x128xf32, #tpu.memory_space<hbm>>) dst(%arg11 : memref<128x128xf32, #tpu.memory_space<vmem>>)
      %run_scoped3A_101 = arith.constant 0 : i32
      "tpu.region"() ({
        %run_scoped3A_109 = tpu.sem_alloc : memref<!tpu.dma_semaphore, #tpu.memory_space<semaphore_mem>>
        %dma_start3A_110 = arith.constant 0 : i32
        %dma_start3A_111 = tpu.memref_slice %arg9[%run_scoped3A_101, %dma_start3A_110] : memref<1x128xi32, #tpu.memory_space<vmem>> -> memref<1x128xi32, #tpu.memory_space<vmem>>
        %dma_start3A_112 = tpu.memref_squeeze %dma_start3A_111 : memref<1x128xi32, #tpu.memory_space<vmem>> -> memref<128xi32, #tpu.memory_space<vmem>>
        %dma_start3A_113 = arith.constant 0 : i32
        %dma_start3A_114 = arith.constant 0 : i32
        %dma_start3A_115 = tpu.memref_slice %arg16[%dma_start3A_113, %dma_start3A_114] : memref<10240x128xf32, #tpu.memory_space<vmem_shared>> -> memref<10240x128xf32, #tpu.memory_space<vmem_shared>>
        tpu.enqueue_indirect_dma source(%arg11 : memref<128x128xf32, #tpu.memory_space<vmem>>) target(%dma_start3A_115 : memref<10240x128xf32, #tpu.memory_space<vmem_shared>>) offsets(%dma_start3A_112 : memref<128xi32, #tpu.memory_space<vmem>>) semaphore(%run_scoped3A_109 : memref<!tpu.dma_semaphore, #tpu.memory_space<semaphore_mem>>) {add = true}
        %dma_wait3A_116 = arith.constant 0 : i32
        %dma_wait3A_117 = tpu.memref_slice %arg9[%run_scoped3A_101, %dma_wait3A_116] : memref<1x128xi32, #tpu.memory_space<vmem>> -> memref<1x128xi32, #tpu.memory_space<vmem>>
        %dma_wait3A_118 = tpu.memref_squeeze %dma_wait3A_117 : memref<1x128xi32, #tpu.memory_space<vmem>> -> memref<128xi32, #tpu.memory_space<vmem>>
        %dma_wait3A_119 = arith.constant 0 : i32
        %dma_wait3A_120 = arith.constant 0 : i32
        %dma_wait3A_121 = tpu.memref_slice %arg16[%dma_wait3A_119, %dma_wait3A_120] : memref<10240x128xf32, #tpu.memory_space<vmem_shared>> -> memref<10240x128xf32, #tpu.memory_space<vmem_shared>>
        tpu.wait_indirect_dma semaphore(%run_scoped3A_109 : memref<!tpu.dma_semaphore, #tpu.memory_space<semaphore_mem>>) src(%arg11 : memref<128x128xf32, #tpu.memory_space<vmem>>) dst(%dma_wait3A_121 : memref<10240x128xf32, #tpu.memory_space<vmem_shared>>)
        tpu.yield
      }) : () -> ()
      %add3A_102 = arith.constant 3 : i32
      %add3A_103 = arith.addi %add3A_57, %add3A_102 : i32
      %lt3A_104 = arith.constant 80 : i32
      %lt3A_105 = arith.cmpi slt, %add3A_103, %lt3A_104 : i32
      %convert_element_type3A_106 = arith.extui %lt3A_105 : i1 to i32
      %cond3A_107 = arith.constant 0 : i32
      %cond3A_108 = arith.cmpi ne, %convert_element_type3A_106, %cond3A_107 : i32
      scf.if %cond3A_108 {
        %add3A_109 = arith.constant 3 : i32
        %add3A_110 = arith.addi %add3A_57, %add3A_109 : i32
        %dma_start3A_111 = arith.constant 0 : i32
        %dma_start3A_112 = arith.constant 0 : i32
        %dma_start3A_113 = tpu.memref_slice %arg9[%dma_start3A_111, %dma_start3A_112] : memref<1x128xi32, #tpu.memory_space<vmem>> -> memref<1x128xi32, #tpu.memory_space<vmem>>
        %dma_start3A_114 = tpu.memref_squeeze %dma_start3A_113 : memref<1x128xi32, #tpu.memory_space<vmem>> -> memref<128xi32, #tpu.memory_space<vmem>>
        %dma_start3A_115 = arith.constant 0 : i32
        %dma_start3A_116 = tpu.memref_slice %arg4[%add3A, %add3A_110, %dma_start3A_115] : memref<32x80x128xi32, #tpu.memory_space<hbm>> -> memref<1x1x128xi32, #tpu.memory_space<hbm>>
        %dma_start3A_117 = tpu.memref_squeeze %dma_start3A_116 : memref<1x1x128xi32, #tpu.memory_space<hbm>> -> memref<128xi32, #tpu.memory_space<hbm>>
        %dma_start3A_118 = arith.constant 0 : i32
        %dma_start3A_119 = tpu.memref_slice %arg9[%dma_start3A_111, %dma_start3A_118] : memref<1x128xi32, #tpu.memory_space<vmem>> -> memref<1x128xi32, #tpu.memory_space<vmem>>
        %dma_start3A_120 = tpu.memref_squeeze %dma_start3A_119 : memref<1x128xi32, #tpu.memory_space<vmem>> -> memref<128xi32, #tpu.memory_space<vmem>>
        %dma_start3A_121 = arith.constant 0 : i32
        %dma_start3A_122 = tpu.memref_slice %arg4[%add3A, %add3A_110, %dma_start3A_121] : memref<32x80x128xi32, #tpu.memory_space<hbm>> -> memref<1x1x128xi32, #tpu.memory_space<hbm>>
        %dma_start3A_123 = tpu.memref_squeeze %dma_start3A_122 : memref<1x1x128xi32, #tpu.memory_space<hbm>> -> memref<128xi32, #tpu.memory_space<hbm>>
        tpu.enqueue_dma source(%dma_start3A_123 : memref<128xi32, #tpu.memory_space<hbm>>) target(%dma_start3A_120 : memref<128xi32, #tpu.memory_space<vmem>>) target_semaphore(%arg13 : memref<!tpu.dma_semaphore, #tpu.memory_space<semaphore_mem>>)
        %add3A_124 = arith.constant 3 : i32
        %add3A_125 = arith.addi %add3A_57, %add3A_124 : i32
        %dma_start3A_126 = arith.constant 0 : i32
        %dma_start3A_127 = tpu.memref_slice %arg7[%add3A_125, %dma_start3A_126] : memref<80x128xi32, #tpu.memory_space<vmem>> -> memref<1x128xi32, #tpu.memory_space<vmem>>
        %dma_start3A_128 = tpu.memref_squeeze %dma_start3A_127 : memref<1x128xi32, #tpu.memory_space<vmem>> -> memref<128xi32, #tpu.memory_space<vmem>>
        %dma_start3A_129 = arith.constant 0 : i32
        %dma_start3A_130 = arith.constant 0 : i32
        %dma_start3A_131 = tpu.memref_slice %arg2[%dma_start3A_129, %dma_start3A_130] : memref<10240x128xf32, #tpu.memory_space<hbm>> -> memref<10240x128xf32, #tpu.memory_space<hbm>>
        tpu.enqueue_indirect_dma source(%dma_start3A_131 : memref<10240x128xf32, #tpu.memory_space<hbm>>) target(%arg11 : memref<128x128xf32, #tpu.memory_space<vmem>>) offsets(%dma_start3A_128 : memref<128xi32, #tpu.memory_space<vmem>>) semaphore(%arg15 : memref<!tpu.dma_semaphore, #tpu.memory_space<semaphore_mem>>)
      } else {
      }
    }
    %scan3A_47 = arith.constant 40 : i32
    %barrier3A_48 = arith.constant 0 : index
    tpu.barrier barrier_id(%barrier3A_48)
    %mul3A_49 = arith.constant 640 : i32
    %mul3A_50 = arith.muli %arg1, %mul3A_49 : i32
    %mul3A_51 = arith.constant 640 : i32
    %mul3A_52 = arith.muli %arg1, %mul3A_51 : i32
    "tpu.region"() ({
      %run_scoped3A = tpu.sem_alloc : memref<!tpu.dma_semaphore, #tpu.memory_space<semaphore_mem>>
      %dma_start3A_53 = arith.constant 0 : i32
      %dma_start3A_54 = tpu.memref_slice %arg6[%arg0, %mul3A_52, %dma_start3A_53] : memref<2x10240x128xf32, #tpu.memory_space<hbm>> -> memref<1x640x128xf32, #tpu.memory_space<hbm>>
      %dma_start3A_55 = tpu.memref_squeeze %dma_start3A_54 : memref<1x640x128xf32, #tpu.memory_space<hbm>> -> memref<640x128xf32, #tpu.memory_space<hbm>>
      %dma_start3A_56 = arith.constant 0 : i32
      %dma_start3A_57 = tpu.memref_slice %arg16[%mul3A_50, %dma_start3A_56] : memref<10240x128xf32, #tpu.memory_space<vmem_shared>> -> memref<640x128xf32, #tpu.memory_space<vmem_shared>>
      tpu.enqueue_dma source(%dma_start3A_57 : memref<640x128xf32, #tpu.memory_space<vmem_shared>>) target(%dma_start3A_55 : memref<640x128xf32, #tpu.memory_space<hbm>>) target_semaphore(%run_scoped3A : memref<!tpu.dma_semaphore, #tpu.memory_space<semaphore_mem>>)
      %dma_wait3A = arith.constant 0 : i32
      %dma_wait3A_58 = tpu.memref_slice %arg6[%arg0, %mul3A_52, %dma_wait3A] : memref<2x10240x128xf32, #tpu.memory_space<hbm>> -> memref<1x640x128xf32, #tpu.memory_space<hbm>>
      %dma_wait3A_59 = tpu.memref_squeeze %dma_wait3A_58 : memref<1x640x128xf32, #tpu.memory_space<hbm>> -> memref<640x128xf32, #tpu.memory_space<hbm>>
      %dma_wait3A_60 = arith.constant 0 : i32
      %dma_wait3A_61 = tpu.memref_slice %arg16[%mul3A_50, %dma_wait3A_60] : memref<10240x128xf32, #tpu.memory_space<vmem_shared>> -> memref<640x128xf32, #tpu.memory_space<vmem_shared>>
      tpu.wait_dma2 semaphore(%run_scoped3A : memref<!tpu.dma_semaphore, #tpu.memory_space<semaphore_mem>>) src(%dma_wait3A_61 : memref<640x128xf32, #tpu.memory_space<vmem_shared>>) dst(%dma_wait3A_59 : memref<640x128xf32, #tpu.memory_space<hbm>>)
      tpu.yield
    }) : () -> ()
    return
  }
}

module attributes {stable_mosaic.version = 14 : i64} {
  func.func @_t1_body(%arg0: i32, %arg1: memref<1024x128xf32, #tpu.memory_space<vmem>>, %arg2: memref<2x1024x128xf32, #tpu.memory_space<vmem>>, %arg3: memref<128x128xf32, #tpu.memory_space<vmem>>, %arg4: memref<1024x128xf32, #tpu.memory_space<vmem>>, %arg5: memref<1024x1xf32, #tpu.memory_space<vmem>>) attributes {dimension_semantics = [#tpu.dimension_semantics<arbitrary>], iteration_bounds = array<i64: 10>, scalar_prefetch = 0 : i64, scratch_operands = 0 : i64, tpu.core_type = #tpu.core_type<tc>, window_params = [{transform_indices = @transform_0, window_bounds = array<i64: 1024, 128>}, {transform_indices = @transform_1, window_bounds = array<i64: 2, 1024, 128>}, {pipeline_mode = #tpu.pipeline_mode<synchronous>, transform_indices = @transform_2, window_bounds = array<i64: 128, 128>}, {transform_indices = @transform_3, window_bounds = array<i64: 1024, 128>}, {transform_indices = @transform_4, window_bounds = array<i64: 1024, 1>}]} {
    %get3A = arith.constant 0 : index
    %get3A_0 = arith.constant 0 : index
    %get3A_1 = arith.constant 0 : index
    %get3A_2 = vector.load %arg2[%get3A, %get3A_0, %get3A_1] : memref<2x1024x128xf32, #tpu.memory_space<vmem>>, vector<1x1024x1xf32>
    %get3A_3 = vector.shape_cast %get3A_2 : vector<1x1024x1xf32> to vector<1024x1xf32>
    %get3A_4 = arith.constant 1 : index
    %get3A_5 = arith.constant 0 : index
    %get3A_6 = arith.constant 0 : index
    %get3A_7 = vector.load %arg2[%get3A_4, %get3A_5, %get3A_6] : memref<2x1024x128xf32, #tpu.memory_space<vmem>>, vector<1x1024x1xf32>
    %get3A_8 = vector.shape_cast %get3A_7 : vector<1x1024x1xf32> to vector<1024x1xf32>
    %add3A = arith.addf %get3A_3, %get3A_8 : vector<1024x1xf32>
    %add3A_9 = arith.constant 1.000000e+00 : f32
    %add3A_10 = vector.broadcast %add3A_9 : f32 to vector<1024x1xf32>
    %add3A_11 = arith.addf %add3A, %add3A_10 : vector<1024x1xf32>
    %rsqrt3A = math.rsqrt %add3A_11 : vector<1024x1xf32>
    %get3A_12 = arith.constant 0 : index
    %get3A_13 = arith.constant 0 : index
    %get3A_14 = vector.load %arg1[%get3A_12, %get3A_13] : memref<1024x128xf32, #tpu.memory_space<vmem>>, vector<1024x128xf32>
    %get3A_15 = arith.constant 0 : index
    %get3A_16 = arith.constant 0 : index
    %get3A_17 = vector.load %arg3[%get3A_15, %get3A_16] : memref<128x128xf32, #tpu.memory_space<vmem>>, vector<128x128xf32>
    %dot_general3A = arith.constant dense<0.000000e+00> : vector<1024x128xf32>
    %dot_general3A_18 = tpu.matmul %get3A_14, %get3A_17, %dot_general3A {dimension_numbers = #tpu.dot_dimension_numbers<[1], [1], [0], [0], [0, 0, 1, 0], [], []>, transpose_lhs_hint = false} : vector<1024x128xf32>, vector<128x128xf32>, vector<1024x128xf32> -> vector<1024x128xf32>
    %mul3A = vector.broadcast %rsqrt3A : vector<1024x1xf32> to vector<1024x128xf32>
    %mul3A_19 = arith.mulf %dot_general3A_18, %mul3A : vector<1024x128xf32>
    %swap3A = arith.constant 0 : index
    %swap3A_20 = arith.constant 0 : index
    %swap3A_21 = vector.load %arg4[%swap3A, %swap3A_20] : memref<1024x128xf32, #tpu.memory_space<vmem>>, vector<1024x128xf32>
    tpu.vector_store %arg4[%swap3A, %swap3A_20], %mul3A_19 {strides = array<i32>} : memref<1024x128xf32, #tpu.memory_space<vmem>>, vector<1024x128xf32>,
    %swap3A_22 = arith.constant 0 : index
    %swap3A_23 = arith.constant 0 : index
    %swap3A_24 = vector.load %arg5[%swap3A_22, %swap3A_23] : memref<1024x1xf32, #tpu.memory_space<vmem>>, vector<1024x1xf32>
    tpu.vector_store %arg5[%swap3A_22, %swap3A_23], %rsqrt3A {strides = array<i32>} : memref<1024x1xf32, #tpu.memory_space<vmem>>, vector<1024x1xf32>,
    return
  }
  func.func @transform_0(%arg0: i32) -> (i32, i32) {
    %c0_i32 = arith.constant 0 : i32
    %c0_i32_0 = arith.constant 0 : i32
    return %arg0, %c0_i32 : i32, i32
  }
  func.func @transform_1(%arg0: i32) -> (i32, i32, i32) {
    %c0_i32 = arith.constant 0 : i32
    %c0_i32_0 = arith.constant 0 : i32
    %c0_i32_1 = arith.constant 0 : i32
    return %c0_i32, %arg0, %c0_i32_0 : i32, i32, i32
  }
  func.func @transform_2(%arg0: i32) -> (i32, i32) {
    %c0_i32 = arith.constant 0 : i32
    %c0_i32_0 = arith.constant 0 : i32
    %c0_i32_1 = arith.constant 0 : i32
    return %c0_i32, %c0_i32_0 : i32, i32
  }
  func.func @transform_3(%arg0: i32) -> (i32, i32) {
    %c0_i32 = arith.constant 0 : i32
    %c0_i32_0 = arith.constant 0 : i32
    return %arg0, %c0_i32 : i32, i32
  }
  func.func @transform_4(%arg0: i32) -> (i32, i32) {
    %c0_i32 = arith.constant 0 : i32
    %c0_i32_0 = arith.constant 0 : i32
    return %arg0, %c0_i32 : i32, i32
  }
}

module attributes {stable_mosaic.version = 14 : i64} {
  func.func @_t2_body(%arg0: i32, %arg1: memref<2x1024x128xf32, #tpu.memory_space<vmem>>, %arg2: memref<1024x128xf32, #tpu.memory_space<vmem>>, %arg3: memref<1024x1xf32, #tpu.memory_space<vmem>>, %arg4: memref<128x128xf32, #tpu.memory_space<vmem>>, %arg5: memref<1x128xf32, #tpu.memory_space<vmem>>, %arg6: memref<1024x128xf32, #tpu.memory_space<vmem>>) attributes {dimension_semantics = [#tpu.dimension_semantics<arbitrary>], iteration_bounds = array<i64: 10>, scalar_prefetch = 0 : i64, scratch_operands = 0 : i64, tpu.core_type = #tpu.core_type<tc>, window_params = [{transform_indices = @transform_0, window_bounds = array<i64: 2, 1024, 128>}, {transform_indices = @transform_1, window_bounds = array<i64: 1024, 128>}, {transform_indices = @transform_2, window_bounds = array<i64: 1024, 1>}, {pipeline_mode = #tpu.pipeline_mode<synchronous>, transform_indices = @transform_3, window_bounds = array<i64: 128, 128>}, {pipeline_mode = #tpu.pipeline_mode<synchronous>, transform_indices = @transform_4, window_bounds = array<i64: 1, 128>}, {transform_indices = @transform_5, window_bounds = array<i64: 1024, 128>}]} {
    %get3A = arith.constant 0 : index
    %get3A_0 = arith.constant 0 : index
    %get3A_1 = vector.load %arg3[%get3A, %get3A_0] : memref<1024x1xf32, #tpu.memory_space<vmem>>, vector<1024x1xf32>
    %get3A_2 = arith.constant 0 : index
    %get3A_3 = arith.constant 0 : index
    %get3A_4 = arith.constant 0 : index
    %get3A_5 = vector.load %arg1[%get3A_2, %get3A_3, %get3A_4] : memref<2x1024x128xf32, #tpu.memory_space<vmem>>, vector<1x1024x128xf32>
    %get3A_6 = vector.shape_cast %get3A_5 : vector<1x1024x128xf32> to vector<1024x128xf32>
    %get3A_7 = arith.constant 1 : index
    %get3A_8 = arith.constant 0 : index
    %get3A_9 = arith.constant 0 : index
    %get3A_10 = vector.load %arg1[%get3A_7, %get3A_8, %get3A_9] : memref<2x1024x128xf32, #tpu.memory_space<vmem>>, vector<1x1024x128xf32>
    %get3A_11 = vector.shape_cast %get3A_10 : vector<1x1024x128xf32> to vector<1024x128xf32>
    %add3A = arith.addf %get3A_6, %get3A_11 : vector<1024x128xf32>
    %get3A_12 = arith.constant 0 : index
    %get3A_13 = arith.constant 0 : index
    %get3A_14 = vector.load %arg2[%get3A_12, %get3A_13] : memref<1024x128xf32, #tpu.memory_space<vmem>>, vector<1024x128xf32>
    %add3A_15 = arith.addf %add3A, %get3A_14 : vector<1024x128xf32>
    %mul3A = vector.broadcast %get3A_1 : vector<1024x1xf32> to vector<1024x128xf32>
    %mul3A_16 = arith.mulf %mul3A, %add3A_15 : vector<1024x128xf32>
    %get3A_17 = arith.constant 0 : index
    %get3A_18 = arith.constant 0 : index
    %get3A_19 = vector.load %arg5[%get3A_17, %get3A_18] : memref<1x128xf32, #tpu.memory_space<vmem>>, vector<1x128xf32>
    %add3A_20 = vector.broadcast %get3A_19 : vector<1x128xf32> to vector<1024x128xf32>
    %add3A_21 = arith.addf %mul3A_16, %add3A_20 : vector<1024x128xf32>
    %max3A = arith.constant 0.000000e+00 : f32
    %max3A_22 = vector.broadcast %max3A : f32 to vector<1024x128xf32>
    %max3A_23 = arith.maximumf %add3A_21, %max3A_22 : vector<1024x128xf32>
    %abs3A = math.absf %add3A_21 : vector<1024x128xf32>
    %neg3A = arith.constant 0.000000e+00 : f32
    %neg3A_24 = vector.broadcast %neg3A : f32 to vector<1024x128xf32>
    %neg3A_25 = arith.subf %neg3A_24, %abs3A : vector<1024x128xf32>
    %exp3A = math.exp %neg3A_25 : vector<1024x128xf32>
    %log1p3A = math.log1p %exp3A : vector<1024x128xf32>
    %add3A_26 = arith.addf %max3A_23, %log1p3A : vector<1024x128xf32>
    %tanh3A = math.tanh %add3A_26 : vector<1024x128xf32>
    %mul3A_27 = arith.mulf %add3A_21, %tanh3A : vector<1024x128xf32>
    %get3A_28 = arith.constant 0 : index
    %get3A_29 = arith.constant 0 : index
    %get3A_30 = vector.load %arg4[%get3A_28, %get3A_29] : memref<128x128xf32, #tpu.memory_space<vmem>>, vector<128x128xf32>
    %dot_general3A = arith.constant dense<0.000000e+00> : vector<1024x128xf32>
    %dot_general3A_31 = tpu.matmul %mul3A_27, %get3A_30, %dot_general3A {dimension_numbers = #tpu.dot_dimension_numbers<[1], [1], [0], [0], [0, 0, 1, 0], [], []>, transpose_lhs_hint = false} : vector<1024x128xf32>, vector<128x128xf32>, vector<1024x128xf32> -> vector<1024x128xf32>
    %mul3A_32 = vector.broadcast %get3A_1 : vector<1024x1xf32> to vector<1024x128xf32>
    %mul3A_33 = arith.mulf %dot_general3A_31, %mul3A_32 : vector<1024x128xf32>
    %swap3A = arith.constant 0 : index
    %swap3A_34 = arith.constant 0 : index
    %swap3A_35 = vector.load %arg6[%swap3A, %swap3A_34] : memref<1024x128xf32, #tpu.memory_space<vmem>>, vector<1024x128xf32>
    tpu.vector_store %arg6[%swap3A, %swap3A_34], %mul3A_33 {strides = array<i32>} : memref<1024x128xf32, #tpu.memory_space<vmem>>, vector<1024x128xf32>,
    return
  }
  func.func @transform_0(%arg0: i32) -> (i32, i32, i32) {
    %c0_i32 = arith.constant 0 : i32
    %c0_i32_0 = arith.constant 0 : i32
    %c0_i32_1 = arith.constant 0 : i32
    return %c0_i32, %arg0, %c0_i32_0 : i32, i32, i32
  }
  func.func @transform_1(%arg0: i32) -> (i32, i32) {
    %c0_i32 = arith.constant 0 : i32
    %c0_i32_0 = arith.constant 0 : i32
    return %arg0, %c0_i32 : i32, i32
  }
  func.func @transform_2(%arg0: i32) -> (i32, i32) {
    %c0_i32 = arith.constant 0 : i32
    %c0_i32_0 = arith.constant 0 : i32
    return %arg0, %c0_i32 : i32, i32
  }
  func.func @transform_3(%arg0: i32) -> (i32, i32) {
    %c0_i32 = arith.constant 0 : i32
    %c0_i32_0 = arith.constant 0 : i32
    %c0_i32_1 = arith.constant 0 : i32
    return %c0_i32, %c0_i32_0 : i32, i32
  }
  func.func @transform_4(%arg0: i32) -> (i32, i32) {
    %c0_i32 = arith.constant 0 : i32
    %c0_i32_0 = arith.constant 0 : i32
    %c0_i32_1 = arith.constant 0 : i32
    return %c0_i32, %c0_i32_0 : i32, i32
  }
  func.func @transform_5(%arg0: i32) -> (i32, i32) {
    %c0_i32 = arith.constant 0 : i32
    %c0_i32_0 = arith.constant 0 : i32
    return %arg0, %c0_i32 : i32, i32
  }
}

module attributes {stable_mosaic.version = 14 : i64} {
  func.func @_t3_body(%arg0: i32, %arg1: memref<2x1024x128xf32, #tpu.memory_space<vmem>>, %arg2: memref<1024x128xf32, #tpu.memory_space<vmem>>, %arg3: memref<1024x1xf32, #tpu.memory_space<vmem>>, %arg4: memref<128x128xf32, #tpu.memory_space<vmem>>, %arg5: memref<1x128xf32, #tpu.memory_space<vmem>>, %arg6: memref<1x128xf32, #tpu.memory_space<vmem>>, %arg7: memref<1024x128xf32, #tpu.memory_space<vmem>>) attributes {dimension_semantics = [#tpu.dimension_semantics<arbitrary>], iteration_bounds = array<i64: 10>, scalar_prefetch = 0 : i64, scratch_operands = 0 : i64, tpu.core_type = #tpu.core_type<tc>, window_params = [{transform_indices = @transform_0, window_bounds = array<i64: 2, 1024, 128>}, {transform_indices = @transform_1, window_bounds = array<i64: 1024, 128>}, {transform_indices = @transform_2, window_bounds = array<i64: 1024, 1>}, {pipeline_mode = #tpu.pipeline_mode<synchronous>, transform_indices = @transform_3, window_bounds = array<i64: 128, 128>}, {pipeline_mode = #tpu.pipeline_mode<synchronous>, transform_indices = @transform_4, window_bounds = array<i64: 1, 128>}, {pipeline_mode = #tpu.pipeline_mode<synchronous>, transform_indices = @transform_5, window_bounds = array<i64: 1, 128>}, {transform_indices = @transform_6, window_bounds = array<i64: 1024, 128>}]} {
    %get3A = arith.constant 0 : index
    %get3A_0 = arith.constant 0 : index
    %get3A_1 = vector.load %arg3[%get3A, %get3A_0] : memref<1024x1xf32, #tpu.memory_space<vmem>>, vector<1024x1xf32>
    %get3A_2 = arith.constant 0 : index
    %get3A_3 = arith.constant 0 : index
    %get3A_4 = arith.constant 0 : index
    %get3A_5 = vector.load %arg1[%get3A_2, %get3A_3, %get3A_4] : memref<2x1024x128xf32, #tpu.memory_space<vmem>>, vector<1x1024x128xf32>
    %get3A_6 = vector.shape_cast %get3A_5 : vector<1x1024x128xf32> to vector<1024x128xf32>
    %get3A_7 = arith.constant 1 : index
    %get3A_8 = arith.constant 0 : index
    %get3A_9 = arith.constant 0 : index
    %get3A_10 = vector.load %arg1[%get3A_7, %get3A_8, %get3A_9] : memref<2x1024x128xf32, #tpu.memory_space<vmem>>, vector<1x1024x128xf32>
    %get3A_11 = vector.shape_cast %get3A_10 : vector<1x1024x128xf32> to vector<1024x128xf32>
    %add3A = arith.addf %get3A_6, %get3A_11 : vector<1024x128xf32>
    %get3A_12 = arith.constant 0 : index
    %get3A_13 = arith.constant 0 : index
    %get3A_14 = vector.load %arg2[%get3A_12, %get3A_13] : memref<1024x128xf32, #tpu.memory_space<vmem>>, vector<1024x128xf32>
    %add3A_15 = arith.addf %add3A, %get3A_14 : vector<1024x128xf32>
    %mul3A = vector.broadcast %get3A_1 : vector<1024x1xf32> to vector<1024x128xf32>
    %mul3A_16 = arith.mulf %mul3A, %add3A_15 : vector<1024x128xf32>
    %get3A_17 = arith.constant 0 : index
    %get3A_18 = arith.constant 0 : index
    %get3A_19 = vector.load %arg5[%get3A_17, %get3A_18] : memref<1x128xf32, #tpu.memory_space<vmem>>, vector<1x128xf32>
    %add3A_20 = vector.broadcast %get3A_19 : vector<1x128xf32> to vector<1024x128xf32>
    %add3A_21 = arith.addf %mul3A_16, %add3A_20 : vector<1024x128xf32>
    %max3A = arith.constant 0.000000e+00 : f32
    %max3A_22 = vector.broadcast %max3A : f32 to vector<1024x128xf32>
    %max3A_23 = arith.maximumf %add3A_21, %max3A_22 : vector<1024x128xf32>
    %abs3A = math.absf %add3A_21 : vector<1024x128xf32>
    %neg3A = arith.constant 0.000000e+00 : f32
    %neg3A_24 = vector.broadcast %neg3A : f32 to vector<1024x128xf32>
    %neg3A_25 = arith.subf %neg3A_24, %abs3A : vector<1024x128xf32>
    %exp3A = math.exp %neg3A_25 : vector<1024x128xf32>
    %log1p3A = math.log1p %exp3A : vector<1024x128xf32>
    %add3A_26 = arith.addf %max3A_23, %log1p3A : vector<1024x128xf32>
    %tanh3A = math.tanh %add3A_26 : vector<1024x128xf32>
    %mul3A_27 = arith.mulf %add3A_21, %tanh3A : vector<1024x128xf32>
    %get3A_28 = arith.constant 0 : index
    %get3A_29 = arith.constant 0 : index
    %get3A_30 = vector.load %arg4[%get3A_28, %get3A_29] : memref<128x128xf32, #tpu.memory_space<vmem>>, vector<128x128xf32>
    %dot_general3A = arith.constant dense<0.000000e+00> : vector<1024x128xf32>
    %dot_general3A_31 = tpu.matmul %mul3A_27, %get3A_30, %dot_general3A {dimension_numbers = #tpu.dot_dimension_numbers<[1], [1], [0], [0], [0, 0, 1, 0], [], []>, transpose_lhs_hint = false} : vector<1024x128xf32>, vector<128x128xf32>, vector<1024x128xf32> -> vector<1024x128xf32>
    %get3A_32 = arith.constant 0 : index
    %get3A_33 = arith.constant 0 : index
    %get3A_34 = vector.load %arg6[%get3A_32, %get3A_33] : memref<1x128xf32, #tpu.memory_space<vmem>>, vector<1x128xf32>
    %add3A_35 = vector.broadcast %get3A_34 : vector<1x128xf32> to vector<1024x128xf32>
    %add3A_36 = arith.addf %dot_general3A_31, %add3A_35 : vector<1024x128xf32>
    %max3A_37 = arith.constant 0.000000e+00 : f32
    %max3A_38 = vector.broadcast %max3A_37 : f32 to vector<1024x128xf32>
    %max3A_39 = arith.maximumf %add3A_36, %max3A_38 : vector<1024x128xf32>
    %abs3A_40 = math.absf %add3A_36 : vector<1024x128xf32>
    %neg3A_41 = arith.constant 0.000000e+00 : f32
    %neg3A_42 = vector.broadcast %neg3A_41 : f32 to vector<1024x128xf32>
    %neg3A_43 = arith.subf %neg3A_42, %abs3A_40 : vector<1024x128xf32>
    %exp3A_44 = math.exp %neg3A_43 : vector<1024x128xf32>
    %log1p3A_45 = math.log1p %exp3A_44 : vector<1024x128xf32>
    %add3A_46 = arith.addf %max3A_39, %log1p3A_45 : vector<1024x128xf32>
    %tanh3A_47 = math.tanh %add3A_46 : vector<1024x128xf32>
    %mul3A_48 = arith.mulf %add3A_36, %tanh3A_47 : vector<1024x128xf32>
    %swap3A = arith.constant 0 : index
    %swap3A_49 = arith.constant 0 : index
    %swap3A_50 = vector.load %arg7[%swap3A, %swap3A_49] : memref<1024x128xf32, #tpu.memory_space<vmem>>, vector<1024x128xf32>
    tpu.vector_store %arg7[%swap3A, %swap3A_49], %mul3A_48 {strides = array<i32>} : memref<1024x128xf32, #tpu.memory_space<vmem>>, vector<1024x128xf32>,
    return
  }
  func.func @transform_0(%arg0: i32) -> (i32, i32, i32) {
    %c0_i32 = arith.constant 0 : i32
    %c0_i32_0 = arith.constant 0 : i32
    %c0_i32_1 = arith.constant 0 : i32
    return %c0_i32, %arg0, %c0_i32_0 : i32, i32, i32
  }
  func.func @transform_1(%arg0: i32) -> (i32, i32) {
    %c0_i32 = arith.constant 0 : i32
    %c0_i32_0 = arith.constant 0 : i32
    return %arg0, %c0_i32 : i32, i32
  }
  func.func @transform_2(%arg0: i32) -> (i32, i32) {
    %c0_i32 = arith.constant 0 : i32
    %c0_i32_0 = arith.constant 0 : i32
    return %arg0, %c0_i32 : i32, i32
  }
  func.func @transform_3(%arg0: i32) -> (i32, i32) {
    %c0_i32 = arith.constant 0 : i32
    %c0_i32_0 = arith.constant 0 : i32
    %c0_i32_1 = arith.constant 0 : i32
    return %c0_i32, %c0_i32_0 : i32, i32
  }
  func.func @transform_4(%arg0: i32) -> (i32, i32) {
    %c0_i32 = arith.constant 0 : i32
    %c0_i32_0 = arith.constant 0 : i32
    %c0_i32_1 = arith.constant 0 : i32
    return %c0_i32, %c0_i32_0 : i32, i32
  }
  func.func @transform_5(%arg0: i32) -> (i32, i32) {
    %c0_i32 = arith.constant 0 : i32
    %c0_i32_0 = arith.constant 0 : i32
    %c0_i32_1 = arith.constant 0 : i32
    return %c0_i32, %c0_i32_0 : i32, i32
  }
  func.func @transform_6(%arg0: i32) -> (i32, i32) {
    %c0_i32 = arith.constant 0 : i32
    %c0_i32_0 = arith.constant 0 : i32
    return %arg0, %c0_i32 : i32, i32
  }
}

module attributes {stable_mosaic.version = 14 : i64} {
  func.func @_t4_body(%arg0: memref<2x136x128xf32, #tpu.memory_space<vmem>>, %arg1: memref<2x136x128xf32, #tpu.memory_space<vmem>>, %arg2: memref<1x128xf32, #tpu.memory_space<vmem>>, %arg3: memref<1x128xf32, #tpu.memory_space<vmem>>, %arg4: memref<128x128xf32, #tpu.memory_space<vmem>>) attributes {dimension_semantics = [], scalar_prefetch = 0 : i64, scratch_operands = 0 : i64, tpu.core_type = #tpu.core_type<tc>} {
    %get3A = arith.constant 0 : index
    %get3A_0 = arith.constant 0 : index
    %get3A_1 = arith.constant 0 : index
    %get3A_2 = vector.load %arg0[%get3A, %get3A_0, %get3A_1] : memref<2x136x128xf32, #tpu.memory_space<vmem>>, vector<1x128x128xf32>
    %get3A_3 = vector.shape_cast %get3A_2 : vector<1x128x128xf32> to vector<128x128xf32>
    %get3A_4 = arith.constant 1 : index
    %get3A_5 = arith.constant 0 : index
    %get3A_6 = arith.constant 0 : index
    %get3A_7 = vector.load %arg0[%get3A_4, %get3A_5, %get3A_6] : memref<2x136x128xf32, #tpu.memory_space<vmem>>, vector<1x128x128xf32>
    %get3A_8 = vector.shape_cast %get3A_7 : vector<1x128x128xf32> to vector<128x128xf32>
    %add3A = arith.addf %get3A_3, %get3A_8 : vector<128x128xf32>
    %get3A_9 = arith.constant 0 : index
    %get3A_10 = arith.constant 0 : index
    %get3A_11 = arith.constant 0 : index
    %get3A_12 = vector.load %arg1[%get3A_9, %get3A_10, %get3A_11] : memref<2x136x128xf32, #tpu.memory_space<vmem>>, vector<1x128x1xf32>
    %get3A_13 = vector.shape_cast %get3A_12 : vector<1x128x1xf32> to vector<128x1xf32>
    %get3A_14 = arith.constant 1 : index
    %get3A_15 = arith.constant 0 : index
    %get3A_16 = arith.constant 0 : index
    %get3A_17 = vector.load %arg1[%get3A_14, %get3A_15, %get3A_16] : memref<2x136x128xf32, #tpu.memory_space<vmem>>, vector<1x128x1xf32>
    %get3A_18 = vector.shape_cast %get3A_17 : vector<1x128x1xf32> to vector<128x1xf32>
    %add3A_19 = arith.addf %get3A_13, %get3A_18 : vector<128x1xf32>
    %max3A = arith.constant 1.000000e+00 : f32
    %max3A_20 = vector.broadcast %max3A : f32 to vector<128x1xf32>
    %max3A_21 = arith.maximumf %add3A_19, %max3A_20 : vector<128x1xf32>
    %div3A = vector.broadcast %max3A_21 : vector<128x1xf32> to vector<128x128xf32>
    %div3A_22 = arith.divf %add3A, %div3A : vector<128x128xf32>
    %reduce_sum3A = arith.constant dense<0.000000e+00> : vector<128xf32>
    %reduce_sum3A_23 = vector.multi_reduction <add>, %div3A_22, %reduce_sum3A [0] : vector<128x128xf32> to vector<128xf32>
    %broadcast_in_dim3A = vector.shape_cast %reduce_sum3A_23 : vector<128xf32> to vector<1x128xf32>
    %div3A_24 = arith.constant 1.280000e+02 : f32
    %div3A_25 = vector.broadcast %div3A_24 : f32 to vector<1x128xf32>
    %div3A_26 = arith.divf %broadcast_in_dim3A, %div3A_25 : vector<1x128xf32>
    %sub3A = vector.broadcast %div3A_26 : vector<1x128xf32> to vector<128x128xf32>
    %sub3A_27 = arith.subf %div3A_22, %sub3A : vector<128x128xf32>
    %integer_pow3A = arith.mulf %sub3A_27, %sub3A_27 : vector<128x128xf32>
    %reduce_sum3A_28 = arith.constant dense<0.000000e+00> : vector<128xf32>
    %reduce_sum3A_29 = vector.multi_reduction <add>, %integer_pow3A, %reduce_sum3A_28 [0] : vector<128x128xf32> to vector<128xf32>
    %broadcast_in_dim3A_30 = vector.shape_cast %reduce_sum3A_29 : vector<128xf32> to vector<1x128xf32>
    %div3A_31 = arith.constant 1.280000e+02 : f32
    %div3A_32 = vector.broadcast %div3A_31 : f32 to vector<1x128xf32>
    %div3A_33 = arith.divf %broadcast_in_dim3A_30, %div3A_32 : vector<1x128xf32>
    %sub3A_34 = vector.broadcast %div3A_26 : vector<1x128xf32> to vector<128x128xf32>
    %sub3A_35 = arith.subf %div3A_22, %sub3A_34 : vector<128x128xf32>
    %add3A_36 = arith.constant 9.99999974E-6 : f32
    %add3A_37 = vector.broadcast %add3A_36 : f32 to vector<1x128xf32>
    %add3A_38 = arith.addf %div3A_33, %add3A_37 : vector<1x128xf32>
    %rsqrt3A = math.rsqrt %add3A_38 : vector<1x128xf32>
    %mul3A = vector.broadcast %rsqrt3A : vector<1x128xf32> to vector<128x128xf32>
    %mul3A_39 = arith.mulf %sub3A_35, %mul3A : vector<128x128xf32>
    %get3A_40 = arith.constant 0 : index
    %get3A_41 = arith.constant 0 : index
    %get3A_42 = vector.load %arg2[%get3A_40, %get3A_41] : memref<1x128xf32, #tpu.memory_space<vmem>>, vector<1x128xf32>
    %mul3A_43 = vector.broadcast %get3A_42 : vector<1x128xf32> to vector<128x128xf32>
    %mul3A_44 = arith.mulf %mul3A_39, %mul3A_43 : vector<128x128xf32>
    %get3A_45 = arith.constant 0 : index
    %get3A_46 = arith.constant 0 : index
    %get3A_47 = vector.load %arg3[%get3A_45, %get3A_46] : memref<1x128xf32, #tpu.memory_space<vmem>>, vector<1x128xf32>
    %add3A_48 = vector.broadcast %get3A_47 : vector<1x128xf32> to vector<128x128xf32>
    %add3A_49 = arith.addf %mul3A_44, %add3A_48 : vector<128x128xf32>
    %swap3A = arith.constant 0 : index
    %swap3A_50 = arith.constant 0 : index
    %swap3A_51 = vector.load %arg4[%swap3A, %swap3A_50] : memref<128x128xf32, #tpu.memory_space<vmem>>, vector<128x128xf32>
    tpu.vector_store %arg4[%swap3A, %swap3A_50], %add3A_49 {strides = array<i32>} : memref<128x128xf32, #tpu.memory_space<vmem>>, vector<128x128xf32>,
    return
  }
}

</mosaic_0001>

<sc_bundles>
// kernel: kernel.10.cloned.1.call-start
scs
__scs_entry_jumppad:
0x0: {  	(pc) =	sbr.rel $0x88, $3  }
0x1: {  	(tag) =	ssettag $0x0;
	lr =	simm.s32 $0x1  }
0x2: {  	[smem:$0x3F96] =	sst lr;
	_ =	strace $0xD0000000  }
0x3: {  	_ = 	snop  }
0x4: {  	_ = 	snop  }
0x5: {  	_ = 	snop  }
0x6: {  	_ = 	snop  }
0x7: {  	_ = 	snop  }
__scs_overlays_trampoline_lowered:
0x8: {  	[smem:$0x3FA5] =	sst s0  }
0x9: {  	[smem:$0x3FA6] =	sst s1  }
0xa: {  	[smem:$0x3FA7] =	sst s2  }
0xb: {  	[smem:$0x3FA8] =	sst s3  }
0xc: {  	[smem:$0x3FA9] =	sst s4  }
0xd: {  	[smem:$0x3FAA] =	sst s5  }
0xe: {  	[smem:$0x3FAB] =	sst s6  }
0xf: {  	[smem:$0x3FAC] =	sst s7  }
0x10: {  	[smem:$0x3FAD] =	sst s8  }
0x11: {  	[smem:$0x3FAE] =	sst s9;
	s0 =	simm.s32 @!p0 $0x0  }
0x12: {  	s1 =	sld [smem:$0x3F94];
	s0 =	simm.s32 @p0 $0x1  }
0x13: {  	[smem:$0x3FAF] =	sst s0;
	s0 =	simm.s32 @!p1 $0x0  }
0x14: {  	s2 =	sld [smem:$0x3F93];
	s0 =	simm.s32 @p1 $0x1  }
0x15: {  	[smem:$0x3FB0] =	sst s0;
	s0 =	simm.s32 @!p2 $0x0  }
0x16: {  	s3 =	sld [smem:$0x3FDB];
	s0 =	simm.s32 @p2 $0x1  }
0x17: {  	s4 =	simm.s32 $0x1BF5;
	[smem:$0x3FB2] =	sst s0  }
0x18: {  	s0 =	sld [smem:$0x3F95];
	_ =	swait.ge [sflag:s4], $0x0  }
0x19: {  	s7 =	sld [smem:$0x3F96]  }
0x1a: {  	s8 =	sadd.s32 $0xFFFFE003, lr  }
0x1b: {  	s9 =	sadd.s32 $0xFFFFFEF7, lr;
	s5 =	simm.s32 $0xFFFFFFFF;
	p2 =	slt.u32 s8, $0xFFFFF086  }
0x1c: {  	p1 =	slt.u32 s9, $0xF7A;
	s5 =	simm.s32 @!p2 $0x0  }
0x1d: {  	s5 =	simm.s32 @p1 $0x1;
	p0 =	seq.s32 s7, s2  }
0x1e: {  	s7 =	smul.u32 @!p0 $0xF7A, s2;
	p2 =	seq.s32 @!p0 s5, $0x0  }
0x1f: {  	s9 =	smul.u32 $0xF7A, s1;
	s8 =	simm.s32 @!p0 $0x1BF5;
	p2 =	por !p2, p0  }
0x20: {  	[sflag:s8] =	ssyncset.s32 @!p0 $0xFFFFF086;
	s6 =	sadd.s32 @!p0 s3, s7;
	s7 =	simm.s32 @!p0 $0x108  }
0x21: {  	s3 =	sadd.s32 s3, s9;
	s6 =	sadd.s32 @!p0 $0x88, s6;
	s7 =	simm.s32 @p2 $0x1082  }
0x22: {  	[simem:s7], [sflag:s8] =	dma.local @!p0 [hbm:s6], $0xF7A  }
0x23: {  	s9 =	sor.u32 $0xD0000000, s2;
	s6 =	simm.s32 $0x108;
	_ =	swait.ge @!p0 [sflag:s8], $0x0  }
0x24: {  	s3 =	sadd.s32 $0x88, s3;
	s6 =	simm.s32 @!p1 $0x1082;
	[sflag:s4] =	ssyncset.s32 $0xFFFFF086  }
0x25: {  	[simem:s6], [sflag:s4] =	dma.local [hbm:s3], $0xF7A  }
0x26: {  	[smem:$0x3F96] =	sst s1;
	(tag) =	ssettag s2;
	_ =	strace s9  }
0x27: {  	s1 =	sld [smem:$0x3FA6]  }
0x28: {  	s2 =	sld [smem:$0x3FA7]  }
0x29: {  	s4 =	sld [smem:$0x3FA9]  }
0x2a: {  	p0 =	seq.s32 s5, $0x0;
	s5 =	sld [smem:$0x3FAA]  }
0x2b: {  	s6 =	sld [smem:$0x3FAB]  }
0x2c: {  	s7 =	sld [smem:$0x3FAC]  }
0x2d: {  	s3 =	simm.s32 $0x108;
	s8 =	sld [smem:$0x3FAD]  }
0x2e: {  	s3 =	simm.s32 @!p0 $0x1082;
	s9 =	sld [smem:$0x3FAE]  }
0x2f: {  	lr =	sadd.s32 s0, s3;
	s0 =	sld [smem:$0x3FA5]  }
0x30: {  	s3 =	sld [smem:$0x3FA8]  }
0x31: {  	[smem:$0x3FB1] =	sst s10  }
0x32: {  	s10 =	sld [smem:$0x3FAF];
	_ =	sdelay $0x3  }
0x33: {  	p0 =	seq.s32 s10, $0x1;
	s10 =	sld [smem:$0x3FB1];
	_ =	sdelay $0x3  }
0x34: {  	[smem:$0x3FB1] =	sst s10  }
0x35: {  	s10 =	sld [smem:$0x3FB0];
	_ =	sdelay $0x3  }
0x36: {  	p1 =	seq.s32 s10, $0x1;
	s10 =	sld [smem:$0x3FB1];
	_ =	sdelay $0x3  }
0x37: {  	[smem:$0x3FB1] =	sst s10  }
0x38: {  	s10 =	sld [smem:$0x3FB2]  }
0x39: {  	_ = 	snop;
	(pc) =	sbr.ind lr, $3  }
0x3a: {  	_ = 	snop  }
0x3b: {  	_ = 	snop  }
0x3c: {  	p2 =	seq.s32 s10, $0x1;
	s10 =	sld [smem:$0x3FB1]  }
0x3d: {  	_ =	shalt  }
0x3e: {  	_ =	shalt  }
0x3f: {  	_ =	shalt  }
0x40: {  	_ =	shalt  }
0x41: {  	_ =	shalt  }
0x42: {  	_ =	shalt  }
0x43: {  	_ =	shalt  }
0x44: {  	_ =	shalt  }
0x45: {  	_ =	shalt  }
0x46: {  	_ =	shalt  }
0x47: {  	_ =	shalt  }
0x48: {  	_ =	shalt  }
0x49: {  	_ =	shalt  }
0x4a: {  	_ =	shalt  }
0x4b: {  	_ =	shalt  }
0x4c: {  	_ =	shalt  }
0x4d: {  	_ =	shalt  }
0x4e: {  	_ =	shalt  }
0x4f: {  	_ =	shalt  }
0x50: {  	_ =	shalt  }
0x51: {  	_ =	shalt  }
0x52: {  	_ =	shalt  }
0x53: {  	_ =	shalt  }
0x54: {  	_ =	shalt  }
0x55: {  	_ =	shalt  }
0x56: {  	_ =	shalt  }
0x57: {  	_ =	shalt  }
0x58: {  	_ =	shalt  }
0x59: {  	_ =	shalt  }
0x5a: {  	_ =	shalt  }
0x5b: {  	_ =	shalt  }
0x5c: {  	_ =	shalt  }
0x5d: {  	_ =	shalt  }
0x5e: {  	_ =	shalt  }
0x5f: {  	_ =	shalt  }
0x60: {  	_ =	shalt  }
0x61: {  	_ =	shalt  }
0x62: {  	_ =	shalt  }
0x63: {  	_ =	shalt  }
0x64: {  	_ =	shalt  }
0x65: {  	_ =	shalt  }
0x66: {  	_ =	shalt  }
0x67: {  	_ =	shalt  }
0x68: {  	_ =	shalt  }
0x69: {  	_ =	shalt  }
0x6a: {  	_ =	shalt  }
0x6b: {  	_ =	shalt  }
0x6c: {  	_ =	shalt  }
0x6d: {  	_ =	shalt  }
0x6e: {  	_ =	shalt  }
0x6f: {  	_ =	shalt  }
0x70: {  	_ =	shalt  }
0x71: {  	_ =	shalt  }
0x72: {  	_ =	shalt  }
0x73: {  	_ =	shalt  }
0x74: {  	_ =	shalt  }
0x75: {  	_ =	shalt  }
0x76: {  	_ =	shalt  }
0x77: {  	_ =	shalt  }
0x78: {  	_ =	shalt  }
0x79: {  	_ =	shalt  }
0x7a: {  	_ =	shalt  }
0x7b: {  	_ =	shalt  }
0x7c: {  	_ =	shalt  }
0x7d: {  	_ =	shalt  }
0x7e: {  	_ =	shalt  }
0x7f: {  	_ =	shalt  }
0x80: {  	_ =	shalt  }
0x81: {  	_ =	shalt  }
0x82: {  	_ =	shalt  }
0x83: {  	_ =	shalt  }
0x84: {  	_ =	shalt  }
0x85: {  	_ =	shalt  }
0x86: {  	_ =	shalt  }
0x87: {  	_ =	shalt  }
.Lfunc_end0:
.L_simem_size_0:
called_computation_lowered:
.L_overlay_start_0:
0x88: {  	s2 =	sld [smem:$0x3FD9]  }
0x89: {  	s3 =	sld [smem:$0x3FFE];
	_ =	sdelay $0x1  }
0x8a: {  	s1 =	srdreg.scid  }
0x8b: {  	s0 =	sand.u32 $0x1, s1  }
0x8c: {  	s14 =	sshll.u32 s0, $0xA;
	s2 =	sadd.s32 s3, s2  }
0x8d: {  	s2 =	sadd.s32 s2, s14  }
0x8e: {  	[smem:$0x3FBD] =	sst s2  }
0x8f: {  	_ = 	snop  }
0x90: {  	s2 =	sld [smem:$0x3FD0];
	_ =	sdelay $0x2  }
0x91: {  	s15 =	simm.s32 $0xA;
	s4 =	simm.s32 $0x10  }
0x92: {  	[smem:s4], [sflag:s15] =	dma.local [hbm:s2], $0x1  }
0x93: {  	_ =	swait.eq [sflag:s15], $0x1  }
0x94: {  	[sflag:s15] =	ssyncset.done $0x0  }
0x95: {  	s16 =	sld [smem:$0x10];
	[sflag:s15] =	ssyncadd.s32 $0xFFFFFFFF  }
0x96: {  	s17 =	sld [smem:$0x11];
	(tm) =	ssettm $0x1  }
0x97: {  	s18 =	sld [smem:$0x3FFB];
	_ =	sdelay $0x3  }
0x98: {  	_ =	strace s18  }
0x99: {  	s4 =	sld [smem:$0x3FFC];
	_ =	sdelay $0x3  }
0x9a: {  	_ =	strace s4  }
0x9b: {  	s4 =	sld [smem:$0x3FFD];
	_ =	sdelay $0x3  }
0x9c: {  	_ =	strace s4  }
0x9d: {  	_ =	strace $0x8FFFFFFF  }
0x9e: {  	s19 =	sld [smem:$0x3FDB];
	_ =	sdelay $0x1  }
0x9f: {  	s5 =	simm.s32 $_scs_section_size  }
0xa0: {  	s6 =	simm.s32 $_size__tile_overlayer_lowered;
	s7 =	simm.s32 $_tile_overlayer_lowered  }
0xa1: {  	s22 =	simm.s32 $0x1BFF;
	s21 =	sshll.u32 s7, $0x1;
	s4 =	sadd.s32 s5, s19  }
0xa2: {  	s8 =	simm.s32 $0x0;
	s20 =	sshll.u32 s6, $0x1;
	s6 =	sadd.s32 s21, s4  }
0xa3: {  	[timem:s8], [sflag:s22] =	dma.local [hbm:s6], s20  }
0xa4: {  	_ =	swait.ge [sflag:s22], s20  }
0xa5: {  	s5 =	ssub.s32 $0x0, s20;
	[sflag:s22] =	ssyncset.done $0x0  }
0xa6: {  	[sflag:s22] =	ssyncadd.s32 s5;
	_ =	sdelay $0x1  }
0xa7: {  	s23 =	simm.s32 $0x1B8B  }
0xa8: {  	_ =	swait.ge [sflag:s23], $0x1  }
0xa9: {  	[sflag:s23] =	ssyncset.done $0x0  }
0xaa: {  	s25 =	simm.s32 $0x1B8E;
	s24 =	sld [smem:$0x3FFE];
	[sflag:s23] =	ssyncadd.s32 $0xFFFFFFFF  }
0xab: {  	s26 =	simm.s32 $execute0_lowered;
	[smem:$0x3FD2] =	sst s25  }
0xac: {  	s6 =	sshll.u32 s26, $0x1;
	_ =	strace $0x80000046;
	[dreg:$0x1] =	wrdreg $0xFFFFFFFF  }
0xad: {  	s28 =	simm.s32 $_size_execute0_lowered;
	s4 =	sadd.s32 s4, s6;
	[dreg:$0x0] =	wrdreg $0x0  }
0xae: {  	s6 =	sshll.u32 s28, $0x1;
	[dreg:$0x2] =	wrdreg s4  }
0xaf: {  	[dreg:$0x3] =	wrdreg s6  }
0xb0: {  	[dreg:$0x4] =	wrdreg $0xC0  }
0xb1: {  	_ =	task [dreg:s8], $0x5FFFF  }
0xb2: {  	[dreg:$0x1] =	wrdreg $0xFFFFFFFF  }
0xb3: {  	[dreg:$0x0] =	wrdreg $0x60  }
0xb4: {  	[dreg:$0x2] =	wrdreg s16  }
0xb5: {  	[dreg:$0x3] =	wrdreg s17  }
0xb6: {  	[dreg:$0x4] =	wrdreg s24  }
0xb7: {  	[dreg:$0x5] =	wrdreg $0x68000  }
0xb8: {  	[dreg:$0x6] =	wrdreg $0x9  }
0xb9: {  	_ =	task.clear_ibuf [dreg:s8], $0x7FFFF;
	_ =	strace $0x90000046  }
0xba: {  	s29 =	simm.s32 $0x9;
	_ =	strace $0x80000048  }
0xbb: {  	_ =	swait.ge [sflag:s29], $0x1  }
0xbc: {  	[sflag:s29] =	ssyncadd.s32 $0xFFFFFFFF  }
0xbd: {  	_ =	strace $0x90000048  }
0xbe: {  	_ =	sfence  }
0xbf: {  	s30 =	sld [smem:$0x0];
	_ =	sdelay $0x2  }
0xc0: {  	s31 =	sshll.u32 s1, $0xD;
	s1 =	sshrl.u32 s1, $0x2  }
0xc1: {  	s3 =	sand.u32 $0x4000, s31;
	s1 =	sadd.s32 s1, s30  }
0xc2: {  	s0 =	sor.u32 s3, s0;
	s1 =	sshll.u32 s1, $0x11  }
0xc3: {  	s0 =	sor.u32 s1, s0  }
0xc4: {  	s0 =	sadd.s32 $0x8F2B, s0  }
0xc5: {  	[sflag:s0] =	ssyncadd.remote.s32 $0x1  }
0xc6: {  	_ =	sfence.sel $0xFFFF  }
0xc7: {  	[dreg:$0x0] =	wrdreg $0xFFFFFFFF;
	(pc) =	sbr.abs _section_cstart, $3  }
0xc8: {  	[dreg:$0x1] =	wrdreg $0xFFFFFFFF  }
0xc9: {  	_ =	task.clear_ibuf [dreg:s8], $0x2FFFF;
	_ =	strace $0x9FFFFFFF  }
0xca: {  	(tm) =	ssettm $0x7FFFFFFF  }
0xcb: {  	_ =	shalt  }
tec
execute0_lowered:
.L_overlay_start_1:
0x0: {  	(tag) =	ssettag $0x1  }
0x1: {  	s6 =	rddreg [dreg:$0x0]  }
0x2: {  	s1 =	rddreg [dreg:$0x1]  }
0x3: {  	s7 =	rddreg [dreg:$0x2]  }
0x4: {  	s2 =	rddreg [dreg:$0x3]  }
0x5: {  	s3 =	srdreg.scid;
	s0 =	rddreg [dreg:$0x4]  }
0x6: {  	s4 =	simm.s32 $0x0;
	s13 =	simm.s32 $0x80;
	s8 =	sand.u32 $0x1, s3  }
0x7: {  	s14 =	simm.s32 $0x0;
	s3 =	stileid.u32;
	s9 =	smul.u32 $0x140000, s8  }
0x8: {  	[smem:$0x7FF] =	sst s4;
	s5 =	sadd.s32 $0x3800, s7;
	s10 =	smul.u32 $0x14000, s3  }
0x9: {  	_ =	strace $0x80000047;
	s11 =	sshll.u32 s8, $0x4;
	s29 =	smul.u32 $0x50000, s3  }
0xa: {  	s8 =	ssub.s32 $0x2, s8;
	s31 =	sshll.u32 s3, $0x6;
	s28 =	sor.u32 s3, s11  }
0xb: {  	s30 =	sshrl.u32 s8, $0x1;
	s9 =	sadd.s32 s10, s9;
	s10 =	smul.u32 $0x500, s28  }
0xc: {  	s11 =	sshrl.u32 s29, $0x2;
	s8 =	ssub.s32 s8, s30;
	s9 =	sshrl.u32 s9, $0x3  }
0xd: {  	s12 =	sadd.s32 s11, s2;
	s8 =	smax.u32 s8, $0x1;
	s11 =	sor.u32 $0x1C01, s31  }
0xe: {  	s7 =	sadd.s32 s9, s7;
	s6 =	sadd.s32 s6, s10;
	s9 =	simm.s32 $0x1  }
0xf: {  	s10 =	simm.s32 $0x2800;
	s12 =	sshrl.u32 s12, $0x3;
	s7 =	sadd.s32 $0x6000, s7  }
.LBB2_1:
0x10: {  	[tilespmem:s4], [sflag:$0x1] =	stream.linear.gather [hbm4b:s6+s4], $0x2800, $0x38;
	[tilespmem:$0x1A800] =	vst v63  }
0x11: {  	_ =	swait.ge [sflag:s9], $0x2800  }
0x12: {  	[sflag:s9] =	ssyncset.done $0x0  }
0x13: {  	[sflag:s9] =	ssyncadd.s32 $0xFFFFD800  }
0x14: {  	[tilespmem:s10], [sflag:$0x1] =	stream.linear.gather [hbm4b:s1+s4], $0x4000, $0x38;
	[tilespmem:$0x1A800] =	vst v63  }
0x15: {  	_ =	swait.ge [sflag:s9], $0x4000  }
0x16: {  	[sflag:s9] =	ssyncset.done $0x0  }
0x17: {  	[sflag:s9] =	ssyncadd.s32 $0xFFFFC000  }
0x18: {  	[spmem:s12], [sflag:s11] =	dma.local [hbm:s5], $0x2800  }
0x19: {  	_ =	swait.ge [sflag:s9], $0x2800  }
0x1a: {  	[sflag:s9] =	ssyncset.done $0x0  }
0x1b: {  	[sflag:s9] =	ssyncadd.s32 $0xFFFFD800  }
0x1c: {  	s15 =	simm.s32 $0x0;
	[bflag:$0x0] =	sbarrier.arrive $0xFFFF  }
0x1d: {  	[spmem:s2] =	stream.indirect.scatter.add.f32 [tilespmem:s10], [sflag:$0x1], $0x80, s15, s13, $0xb8;
	[tilespmem:$0x1A800] =	vst v63  }
0x1e: {  	_ =	swait.ge [sflag:s9], $0x4000  }
0x1f: {  	s15 =	simm.s32 $0x200;
	[sflag:s9] =	ssyncset.done $0x0  }
.LBB2_2:
0x20: {  	s16 =	sshra.s32 s15, $0x2;
	[sflag:s9] =	ssyncadd.s32 $0xFFFFC000;
	p0 =	sne.s32 s15, $0x9E00  }
0x21: {  	[spmem:s2] =	stream.indirect.scatter.add.f32 [tilespmem:s10], [sflag:$0x1], $0x80, s16, s13, $0xb8;
	[tilespmem:$0x1A800] =	vst v63  }
.Ltmp0:
0x22: {  	_ = 	snop;
	(pc) =	sbr.rel @p0 .LBB2_2-.Ltmp0, $4  }
0x23: {  	_ = 	snop  }
0x24: {  	s15 =	sadd.s32 $0x200, s15  }
0x25: {  	_ =	swait.ge [sflag:s9], $0x4000  }
0x26: {  	[sflag:s9] =	ssyncset.done $0x0  }
0x27: {  	s14 =	sadd.s32 $0x1, s14  }
0x28: {  	[sflag:s9] =	ssyncadd.s32 $0xFFFFC000;
	p0 =	sne.s32 s14, s8  }
.Ltmp1:
0x29: {  	[bflag:$0x0] =	sbarrier.arrive $0xFFFF;
	(pc) =	sbr.rel @p0 .LBB2_1-.Ltmp1, $4  }
0x2a: {  	[hbm:s7], [sflag:s11] =	dma.local [spmem:s12], $0x2800  }
0x2b: {  	_ =	swait.ge [sflag:s9], $0x2800  }
0x2c: {  	[sflag:s9] =	ssyncset.done $0x0  }
0x2d: {  	[sflag:s9] =	ssyncadd.s32 $0xFFFFD800  }
0x2e: {  	_ =	sfence.sel $0x180000  }
0x2f: {  	[bflag:$0x0] =	sbarrier.arrive $0xFFFF  }
0x30: {  	p0 =	sne.s32 s3, $0x0;
	_ =	strace $0x90000047  }
0x31: {  	s0 =	sadd.s32 @!p0 $0x100000, s0;
	[bflag:$0x2] =	sbarrier.arrive $0xFFFF  }
0x32: {  	[sflag:s0] =	ssyncadd.tile.s32 @!p0 $0x1;
	_ =	shalt  }
.Lfunc_end2:
_tile_overlayer_lowered:
.L_overlay_start_2:
0x33: {  	(tag) =	ssettag $0x2  }
0x34: {  	s0 =	rddreg [dreg:$0x0];
	s2 =	stileid.u32  }
0x35: {  	s1 =	rddreg [dreg:$0x1];
	p0 =	sne.s32 s2, $0x0  }
0x36: {  	s3 =	rddreg [dreg:$0x2];
	[bflag:$0x3] =	sbarrier.arrive $0xFFFF;
	s2 =	simm.s32 @!p0 $0x1C01  }
0x37: {  	[timem:s3], [sflag:s2] =	dma.local @!p0 [hbm:s0], s1  }
0x38: {  	s0 =	simm.s32 @!p0 $0x1  }
0x39: {  	_ =	swait.ge @!p0 [sflag:s0], s1  }
0x3a: {  	s1 =	ssub.s32 @!p0 $0x0, s1;
	[sflag:s0] =	ssyncset.done @!p0 $0x0  }
0x3b: {  	[sflag:s0] =	ssyncadd.s32 @!p0 s1  }
0x3c: {  	[bflag:$0x3] =	sbarrier.arrive $0xFFFF  }
0x3d: {  	_ =	shalt  }

// kernel: kernel.13.cloned.1.call-start
scs
__scs_entry_jumppad:
0x0: {  	(pc) =	sbr.rel $0x88, $3  }
0x1: {  	(tag) =	ssettag $0x0;
	lr =	simm.s32 $0x1  }
0x2: {  	[smem:$0x3F96] =	sst lr;
	_ =	strace $0xD0000000  }
0x3: {  	_ = 	snop  }
0x4: {  	_ = 	snop  }
0x5: {  	_ = 	snop  }
0x6: {  	_ = 	snop  }
0x7: {  	_ = 	snop  }
__scs_overlays_trampoline_lowered:
0x8: {  	[smem:$0x3FA5] =	sst s0  }
0x9: {  	[smem:$0x3FA6] =	sst s1  }
0xa: {  	[smem:$0x3FA7] =	sst s2  }
0xb: {  	[smem:$0x3FA8] =	sst s3  }
0xc: {  	[smem:$0x3FA9] =	sst s4  }
0xd: {  	[smem:$0x3FAA] =	sst s5  }
0xe: {  	[smem:$0x3FAB] =	sst s6  }
0xf: {  	[smem:$0x3FAC] =	sst s7  }
0x10: {  	[smem:$0x3FAD] =	sst s8  }
0x11: {  	[smem:$0x3FAE] =	sst s9;
	s0 =	simm.s32 @!p0 $0x0  }
0x12: {  	s1 =	sld [smem:$0x3F94];
	s0 =	simm.s32 @p0 $0x1  }
0x13: {  	[smem:$0x3FAF] =	sst s0;
	s0 =	simm.s32 @!p1 $0x0  }
0x14: {  	s2 =	sld [smem:$0x3F93];
	s0 =	simm.s32 @p1 $0x1  }
0x15: {  	[smem:$0x3FB0] =	sst s0;
	s0 =	simm.s32 @!p2 $0x0  }
0x16: {  	s3 =	sld [smem:$0x3FDB];
	s0 =	simm.s32 @p2 $0x1  }
0x17: {  	s4 =	simm.s32 $0x1BF5;
	[smem:$0x3FB2] =	sst s0  }
0x18: {  	s0 =	sld [smem:$0x3F95];
	_ =	swait.ge [sflag:s4], $0x0  }
0x19: {  	s7 =	sld [smem:$0x3F96]  }
0x1a: {  	s8 =	sadd.s32 $0xFFFFE003, lr  }
0x1b: {  	s9 =	sadd.s32 $0xFFFFFEF7, lr;
	s5 =	simm.s32 $0xFFFFFFFF;
	p2 =	slt.u32 s8, $0xFFFFF086  }
0x1c: {  	p1 =	slt.u32 s9, $0xF7A;
	s5 =	simm.s32 @!p2 $0x0  }
0x1d: {  	s5 =	simm.s32 @p1 $0x1;
	p0 =	seq.s32 s7, s2  }
0x1e: {  	s7 =	smul.u32 @!p0 $0xF7A, s2;
	p2 =	seq.s32 @!p0 s5, $0x0  }
0x1f: {  	s9 =	smul.u32 $0xF7A, s1;
	s8 =	simm.s32 @!p0 $0x1BF5;
	p2 =	por !p2, p0  }
0x20: {  	[sflag:s8] =	ssyncset.s32 @!p0 $0xFFFFF086;
	s6 =	sadd.s32 @!p0 s3, s7;
	s7 =	simm.s32 @!p0 $0x108  }
0x21: {  	s3 =	sadd.s32 s3, s9;
	s6 =	sadd.s32 @!p0 $0x88, s6;
	s7 =	simm.s32 @p2 $0x1082  }
0x22: {  	[simem:s7], [sflag:s8] =	dma.local @!p0 [hbm:s6], $0xF7A  }
0x23: {  	s9 =	sor.u32 $0xD0000000, s2;
	s6 =	simm.s32 $0x108;
	_ =	swait.ge @!p0 [sflag:s8], $0x0  }
0x24: {  	s3 =	sadd.s32 $0x88, s3;
	s6 =	simm.s32 @!p1 $0x1082;
	[sflag:s4] =	ssyncset.s32 $0xFFFFF086  }
0x25: {  	[simem:s6], [sflag:s4] =	dma.local [hbm:s3], $0xF7A  }
0x26: {  	[smem:$0x3F96] =	sst s1;
	(tag) =	ssettag s2;
	_ =	strace s9  }
0x27: {  	s1 =	sld [smem:$0x3FA6]  }
0x28: {  	s2 =	sld [smem:$0x3FA7]  }
0x29: {  	s4 =	sld [smem:$0x3FA9]  }
0x2a: {  	p0 =	seq.s32 s5, $0x0;
	s5 =	sld [smem:$0x3FAA]  }
0x2b: {  	s6 =	sld [smem:$0x3FAB]  }
0x2c: {  	s7 =	sld [smem:$0x3FAC]  }
0x2d: {  	s3 =	simm.s32 $0x108;
	s8 =	sld [smem:$0x3FAD]  }
0x2e: {  	s3 =	simm.s32 @!p0 $0x1082;
	s9 =	sld [smem:$0x3FAE]  }
0x2f: {  	lr =	sadd.s32 s0, s3;
	s0 =	sld [smem:$0x3FA5]  }
0x30: {  	s3 =	sld [smem:$0x3FA8]  }
0x31: {  	[smem:$0x3FB1] =	sst s10  }
0x32: {  	s10 =	sld [smem:$0x3FAF];
	_ =	sdelay $0x3  }
0x33: {  	p0 =	seq.s32 s10, $0x1;
	s10 =	sld [smem:$0x3FB1];
	_ =	sdelay $0x3  }
0x34: {  	[smem:$0x3FB1] =	sst s10  }
0x35: {  	s10 =	sld [smem:$0x3FB0];
	_ =	sdelay $0x3  }
0x36: {  	p1 =	seq.s32 s10, $0x1;
	s10 =	sld [smem:$0x3FB1];
	_ =	sdelay $0x3  }
0x37: {  	[smem:$0x3FB1] =	sst s10  }
0x38: {  	s10 =	sld [smem:$0x3FB2]  }
0x39: {  	_ = 	snop;
	(pc) =	sbr.ind lr, $3  }
0x3a: {  	_ = 	snop  }
0x3b: {  	_ = 	snop  }
0x3c: {  	p2 =	seq.s32 s10, $0x1;
	s10 =	sld [smem:$0x3FB1]  }
0x3d: {  	_ =	shalt  }
0x3e: {  	_ =	shalt  }
0x3f: {  	_ =	shalt  }
0x40: {  	_ =	shalt  }
0x41: {  	_ =	shalt  }
0x42: {  	_ =	shalt  }
0x43: {  	_ =	shalt  }
0x44: {  	_ =	shalt  }
0x45: {  	_ =	shalt  }
0x46: {  	_ =	shalt  }
0x47: {  	_ =	shalt  }
0x48: {  	_ =	shalt  }
0x49: {  	_ =	shalt  }
0x4a: {  	_ =	shalt  }
0x4b: {  	_ =	shalt  }
0x4c: {  	_ =	shalt  }
0x4d: {  	_ =	shalt  }
0x4e: {  	_ =	shalt  }
0x4f: {  	_ =	shalt  }
0x50: {  	_ =	shalt  }
0x51: {  	_ =	shalt  }
0x52: {  	_ =	shalt  }
0x53: {  	_ =	shalt  }
0x54: {  	_ =	shalt  }
0x55: {  	_ =	shalt  }
0x56: {  	_ =	shalt  }
0x57: {  	_ =	shalt  }
0x58: {  	_ =	shalt  }
0x59: {  	_ =	shalt  }
0x5a: {  	_ =	shalt  }
0x5b: {  	_ =	shalt  }
0x5c: {  	_ =	shalt  }
0x5d: {  	_ =	shalt  }
0x5e: {  	_ =	shalt  }
0x5f: {  	_ =	shalt  }
0x60: {  	_ =	shalt  }
0x61: {  	_ =	shalt  }
0x62: {  	_ =	shalt  }
0x63: {  	_ =	shalt  }
0x64: {  	_ =	shalt  }
0x65: {  	_ =	shalt  }
0x66: {  	_ =	shalt  }
0x67: {  	_ =	shalt  }
0x68: {  	_ =	shalt  }
0x69: {  	_ =	shalt  }
0x6a: {  	_ =	shalt  }
0x6b: {  	_ =	shalt  }
0x6c: {  	_ =	shalt  }
0x6d: {  	_ =	shalt  }
0x6e: {  	_ =	shalt  }
0x6f: {  	_ =	shalt  }
0x70: {  	_ =	shalt  }
0x71: {  	_ =	shalt  }
0x72: {  	_ =	shalt  }
0x73: {  	_ =	shalt  }
0x74: {  	_ =	shalt  }
0x75: {  	_ =	shalt  }
0x76: {  	_ =	shalt  }
0x77: {  	_ =	shalt  }
0x78: {  	_ =	shalt  }
0x79: {  	_ =	shalt  }
0x7a: {  	_ =	shalt  }
0x7b: {  	_ =	shalt  }
0x7c: {  	_ =	shalt  }
0x7d: {  	_ =	shalt  }
0x7e: {  	_ =	shalt  }
0x7f: {  	_ =	shalt  }
0x80: {  	_ =	shalt  }
0x81: {  	_ =	shalt  }
0x82: {  	_ =	shalt  }
0x83: {  	_ =	shalt  }
0x84: {  	_ =	shalt  }
0x85: {  	_ =	shalt  }
0x86: {  	_ =	shalt  }
0x87: {  	_ =	shalt  }
.Lfunc_end0:
.L_simem_size_0:
called_computation.1_lowered:
.L_overlay_start_0:
0x88: {  	s2 =	sld [smem:$0x3FD9]  }
0x89: {  	s3 =	sld [smem:$0x3FFE];
	_ =	sdelay $0x1  }
0x8a: {  	s1 =	srdreg.scid  }
0x8b: {  	s0 =	sand.u32 $0x1, s1  }
0x8c: {  	s14 =	sshll.u32 s0, $0xA;
	s2 =	sadd.s32 s3, s2  }
0x8d: {  	s2 =	sadd.s32 s2, s14  }
0x8e: {  	[smem:$0x3FBD] =	sst s2  }
0x8f: {  	_ = 	snop  }
0x90: {  	s2 =	sld [smem:$0x3FD0];
	_ =	sdelay $0x2  }
0x91: {  	s15 =	simm.s32 $0xA;
	s4 =	simm.s32 $0x10  }
0x92: {  	[smem:s4], [sflag:s15] =	dma.local [hbm:s2], $0x1  }
0x93: {  	_ =	swait.eq [sflag:s15], $0x1  }
0x94: {  	[sflag:s15] =	ssyncset.done $0x0  }
0x95: {  	[sflag:s15] =	ssyncadd.s32 $0xFFFFFFFF  }
0x96: {  	s16 =	sld [smem:$0x10];
	(tm) =	ssettm $0x1  }
0x97: {  	s17 =	sld [smem:$0x3FFB];
	_ =	sdelay $0x3  }
0x98: {  	_ =	strace s17  }
0x99: {  	s3 =	sld [smem:$0x3FFC];
	_ =	sdelay $0x3  }
0x9a: {  	_ =	strace s3  }
0x9b: {  	s3 =	sld [smem:$0x3FFD];
	_ =	sdelay $0x3  }
0x9c: {  	_ =	strace s3  }
0x9d: {  	_ =	strace $0x8FFFFFFF  }
0x9e: {  	s18 =	sld [smem:$0x3FDB];
	_ =	sdelay $0x1  }
0x9f: {  	s19 =	simm.s32 $_scs_section_size  }
0xa0: {  	s5 =	simm.s32 $_size__tile_overlayer_lowered;
	s6 =	simm.s32 $_tile_overlayer_lowered  }
0xa1: {  	s22 =	simm.s32 $0x1BFF;
	s21 =	sshll.u32 s6, $0x1;
	s3 =	sadd.s32 s19, s18  }
0xa2: {  	s7 =	simm.s32 $0x0;
	s20 =	sshll.u32 s5, $0x1;
	s5 =	sadd.s32 s21, s3  }
0xa3: {  	[timem:s7], [sflag:s22] =	dma.local [hbm:s5], s20  }
0xa4: {  	_ =	swait.ge [sflag:s22], s20  }
0xa5: {  	s4 =	ssub.s32 $0x0, s20;
	[sflag:s22] =	ssyncset.done $0x0  }
0xa6: {  	[sflag:s22] =	ssyncadd.s32 s4;
	_ =	sdelay $0x1  }
0xa7: {  	s23 =	simm.s32 $0x1B8B  }
0xa8: {  	_ =	swait.ge [sflag:s23], $0x1  }
0xa9: {  	[sflag:s23] =	ssyncset.done $0x0  }
0xaa: {  	s25 =	simm.s32 $0x1B8E;
	s24 =	sld [smem:$0x3FFE];
	[sflag:s23] =	ssyncadd.s32 $0xFFFFFFFF  }
0xab: {  	s26 =	simm.s32 $execute0_lowered;
	[smem:$0x3FD2] =	sst s25  }
0xac: {  	s5 =	sshll.u32 s26, $0x1;
	_ =	strace $0x80000049;
	[dreg:$0x1] =	wrdreg $0xFFFFFFFF  }
0xad: {  	s28 =	simm.s32 $_size_execute0_lowered;
	s3 =	sadd.s32 s3, s5;
	[dreg:$0x0] =	wrdreg $0x0  }
0xae: {  	s5 =	sshll.u32 s28, $0x1;
	[dreg:$0x2] =	wrdreg s3  }
0xaf: {  	[dreg:$0x3] =	wrdreg s5  }
0xb0: {  	[dreg:$0x4] =	wrdreg $0xC0  }
0xb1: {  	_ =	task [dreg:s7], $0x5FFFF  }
0xb2: {  	[dreg:$0x1] =	wrdreg $0xFFFFFFFF  }
0xb3: {  	[dreg:$0x0] =	wrdreg $0x60  }
0xb4: {  	[dreg:$0x2] =	wrdreg s24  }
0xb5: {  	[dreg:$0x3] =	wrdreg s16  }
0xb6: {  	[dreg:$0x4] =	wrdreg $0xA9000  }
0xb7: {  	[dreg:$0x5] =	wrdreg $0x9  }
0xb8: {  	_ =	task.clear_ibuf [dreg:s7], $0x6FFFF;
	_ =	strace $0x90000049  }
0xb9: {  	s29 =	simm.s32 $0x9;
	_ =	strace $0x8000004B  }
0xba: {  	_ =	swait.ge [sflag:s29], $0x1  }
0xbb: {  	[sflag:s29] =	ssyncadd.s32 $0xFFFFFFFF  }
0xbc: {  	_ =	strace $0x9000004B  }
0xbd: {  	_ =	sfence  }
0xbe: {  	s30 =	sld [smem:$0x0];
	_ =	sdelay $0x2  }
0xbf: {  	s31 =	sshll.u32 s1, $0xD;
	s1 =	sshrl.u32 s1, $0x2  }
0xc0: {  	s3 =	sand.u32 $0x4000, s31;
	s1 =	sadd.s32 s1, s30  }
0xc1: {  	s0 =	sor.u32 s3, s0;
	s1 =	sshll.u32 s1, $0x11  }
0xc2: {  	s0 =	sor.u32 s1, s0  }
0xc3: {  	s0 =	sadd.s32 $0x8F2B, s0  }
0xc4: {  	[sflag:s0] =	ssyncadd.remote.s32 $0x1  }
0xc5: {  	_ =	sfence.sel $0xFFFF  }
0xc6: {  	[dreg:$0x0] =	wrdreg $0xFFFFFFFF;
	(pc) =	sbr.abs _section_cstart, $3  }
0xc7: {  	[dreg:$0x1] =	wrdreg $0xFFFFFFFF  }
0xc8: {  	_ =	task.clear_ibuf [dreg:s7], $0x2FFFF;
	_ =	strace $0x9FFFFFFF  }
0xc9: {  	(tm) =	ssettm $0x7FFFFFFF  }
tec
execute0_lowered:
.L_overlay_start_1:
0x0: {  	(tag) =	ssettag $0x1  }
0x1: {  	s8 =	rddreg [dreg:$0x0]  }
0x2: {  	s2 =	rddreg [dreg:$0x1]  }
0x3: {  	s0 =	srdreg.scid;
	s3 =	rddreg [dreg:$0x2]  }
0x4: {  	s5 =	simm.s32 $0x0;
	s17 =	simm.s32 $0x2880;
	s18 =	simm.s32 $0x80  }
0x5: {  	s19 =	simm.s32 $0x2900;
	s20 =	simm.s32 $0x6900;
	s21 =	simm.s32 $0x1  }
0x6: {  	s22 =	simm.s32 $0x3;
	s23 =	simm.s32 $0x2;
	s24 =	simm.s32 $0x4  }
0x7: {  	s25 =	simm.s32 $0x0;
	s7 =	sand.u32 $0x1, s0;
	s0 =	stileid.u32  }
0x8: {  	[smem:$0x7FF] =	sst s5;
	s6 =	sadd.s32 $0x6000, s8;
	s9 =	smul.u32 $0x140000, s7  }
0x9: {  	s1 =	sshll.u32 s7, $0x4;
	s10 =	smul.u32 $0x14000, s0;
	_ =	strace $0x8000004A  }
0xa: {  	s29 =	ssub.s32 $0x2, s7;
	s14 =	smul.u32 $0x50000, s0;
	s7 =	sadd.s32 $0x3800, s8  }
0xb: {  	s31 =	sshll.u32 s0, $0x6;
	s1 =	sor.u32 s0, s1;
	s13 =	sshrl.u32 s29, $0x1  }
0xc: {  	s4 =	smul.u32 $0x2800, s1;
	s9 =	sadd.s32 s10, s9;
	s13 =	ssub.s32 s29, s13  }
0xd: {  	s30 =	sshrl.u32 s14, $0x2;
	s14 =	sor.u32 $0x1C05, s31;
	s9 =	sshrl.u32 s9, $0x3  }
0xe: {  	s16 =	sadd.s32 s30, s3;
	s11 =	sshrl.u32 s4, $0x3;
	s15 =	sadd.s32 s9, s8  }
0xf: {  	s12 =	sadd.s32 s11, s8;
	s9 =	sadd.s32 s2, s11;
	s11 =	sadd.s32 $0x60000, s15  }
0x10: {  	s15 =	sshrl.u32 s16, $0x3;
	s16 =	simm.s32 $0x2800;
	s8 =	sadd.s32 $0x56000, s12  }
0x11: {  	s10 =	sadd.s32 $0x10, s9;
	s12 =	smax.u32 s13, $0x1;
	s13 =	simm.s32 $0x5  }
.LBB2_1:
0x12: {  	[tilespmem:s5], [sflag:$0x5] =	stream.linear.gather [hbm4b:s8+s5], $0x2800, $0x38;
	[tilespmem:$0x1E900] =	vst v63  }
0x13: {  	_ =	swait.ge [sflag:s13], $0x2800  }
0x14: {  	[sflag:s13] =	ssyncset.done $0x0  }
0x15: {  	[sflag:s13] =	ssyncadd.s32 $0xFFFFD800  }
0x16: {  	[spmem:s15], [sflag:s14] =	dma.local [hbm:s7], $0x2800  }
0x17: {  	_ =	swait.ge [sflag:s13], $0x2800  }
0x18: {  	[sflag:s13] =	ssyncset.done $0x0  }
0x19: {  	[sflag:s13] =	ssyncadd.s32 $0xFFFFD800  }
0x1a: {  	[bflag:$0x0] =	sbarrier.arrive $0xFFFF  }
0x1b: {  	[tilespmem:s16], [sflag:$0x1] =	stream.linear.gather [hbm4b:s9+s5], $0x80, $0x38;
	[tilespmem:$0x1E900] =	vst v63  }
0x1c: {  	_ = 	snop  }
0x1d: {  	[tilespmem:s17], [sflag:$0x2] =	stream.linear.gather [hbm4b:s10+s5], $0x80, $0x38;
	[tilespmem:$0x1E900] =	vst v63  }
0x1e: {  	_ = 	snop  }
0x1f: {  	[tilespmem:s19], [sflag:$0x3] =	stream.indirect.gather [hbm4b:s6+s18], $0x80, s5, s18, $0xb8;
	[tilespmem:$0x1E900] =	vst v63  }
0x20: {  	_ = 	snop  }
0x21: {  	[tilespmem:s20], [sflag:$0x4] =	stream.indirect.gather [hbm4b:s6+s18], $0x80, s18, s18, $0xb8;
	[tilespmem:$0x1E900] =	vst v63  }
0x22: {  	_ =	swait.ge [sflag:s21], $0x80  }
0x23: {  	[sflag:s21] =	ssyncset.done $0x0  }
0x24: {  	[sflag:s21] =	ssyncadd.s32 $0xFFFFFF80  }
0x25: {  	s26 =	simm.s32 $0x100;
	_ =	swait.ge [sflag:s22], $0x4000  }
0x26: {  	s28 =	sand.u32 $0x7C00, s26;
	[sflag:s22] =	ssyncset.done $0x0  }
0x27: {  	s26 =	sand.u32 $0x300, s26;
	s28 =	sadd.s32 s4, s28;
	[sflag:s22] =	ssyncadd.s32 $0xFFFFC000  }
0x28: {  	[spmem:s3] =	stream.indirect.scatter.add.f32 [tilespmem:s19], [sflag:$0x5], $0x80, s16, s18, $0xb8;
	[tilespmem:$0x1E900] =	vst v63  }
0x29: {  	s26 =	sor.u32 s26, s28;
	_ =	swait.ge [sflag:s13], $0x4000  }
0x2a: {  	s26 =	sshrl.u32 s26, $0x3;
	[sflag:s13] =	ssyncset.done $0x0  }
0x2b: {  	s26 =	sadd.s32 s2, s26;
	[sflag:s13] =	ssyncadd.s32 $0xFFFFC000  }
0x2c: {  	[tilespmem:s16], [sflag:$0x1] =	stream.linear.gather [hbm4b:s26+s5], $0x80, $0x38;
	[tilespmem:$0x1E900] =	vst v63  }
0x2d: {  	s30 =	simm.s32 $0x100  }
0x2e: {  	[tilespmem:s19], [sflag:$0x3] =	stream.indirect.gather [hbm4b:s6+s18], $0x80, s30, s18, $0xb8;
	[tilespmem:$0x1E900] =	vst v63  }
0x2f: {  	_ =	swait.ge [sflag:s23], $0x80  }
0x30: {  	[sflag:s23] =	ssyncset.done $0x0  }
0x31: {  	[sflag:s23] =	ssyncadd.s32 $0xFFFFFF80  }
0x32: {  	s31 =	simm.s32 $0x180;
	_ =	swait.ge [sflag:s24], $0x4000  }
0x33: {  	s28 =	sand.u32 $0x7C00, s31;
	[sflag:s24] =	ssyncset.done $0x0  }
0x34: {  	s28 =	sadd.s32 s4, s28;
	s26 =	sand.u32 $0x380, s31;
	[sflag:s24] =	ssyncadd.s32 $0xFFFFC000  }
0x35: {  	[spmem:s3] =	stream.indirect.scatter.add.f32 [tilespmem:s20], [sflag:$0x5], $0x80, s17, s18, $0xb8;
	[tilespmem:$0x1E900] =	vst v63  }
0x36: {  	s26 =	sor.u32 s26, s28;
	_ =	swait.ge [sflag:s13], $0x4000  }
0x37: {  	s26 =	sshrl.u32 s26, $0x3;
	[sflag:s13] =	ssyncset.done $0x0  }
0x38: {  	s26 =	sadd.s32 s2, s26;
	[sflag:s13] =	ssyncadd.s32 $0xFFFFC000  }
0x39: {  	[tilespmem:s17], [sflag:$0x2] =	stream.linear.gather [hbm4b:s26+s5], $0x80, $0x38;
	[tilespmem:$0x1E900] =	vst v63  }
0x3a: {  	s29 =	simm.s32 $0x200;
	s28 =	simm.s32 $0x180;
	s26 =	simm.s32 $0x280  }
.LBB2_2:
0x3b: {  	s30 =	sadd.s32 $0x80, s29  }
0x3c: {  	p0 =	sne.s32 s26, $0x2780;
	s31 =	smov.u32 s26;
	s26 =	sadd.s32 $0x100, s26  }
0x3d: {  	[tilespmem:s20], [sflag:$0x4] =	stream.indirect.gather [hbm4b:s6+s18], $0x80, s28, s18, $0xb8;
	[tilespmem:$0x1E900] =	vst v63  }
0x3e: {  	s28 =	smov.u32 s30;
	_ =	swait.ge [sflag:s21], $0x80  }
0x3f: {  	[sflag:s21] =	ssyncset.done $0x0  }
0x40: {  	[sflag:s21] =	ssyncadd.s32 $0xFFFFFF80  }
0x41: {  	_ =	swait.ge [sflag:s22], $0x4000  }
0x42: {  	s30 =	sadd.s32 $0xFFFFFF80, s31;
	[sflag:s22] =	ssyncset.done $0x0  }
0x43: {  	s1 =	sand.u32 $0x7C00, s30;
	s30 =	sand.u32 $0x300, s30;
	[sflag:s22] =	ssyncadd.s32 $0xFFFFC000  }
0x44: {  	[spmem:s3] =	stream.indirect.scatter.add.f32 [tilespmem:s19], [sflag:$0x5], $0x80, s16, s18, $0xb8;
	[tilespmem:$0x1E900] =	vst v63  }
0x45: {  	s1 =	sadd.s32 s4, s1;
	_ =	swait.ge [sflag:s13], $0x4000  }
0x46: {  	s1 =	sor.u32 s30, s1;
	[sflag:s13] =	ssyncset.done $0x0  }
0x47: {  	s1 =	sshrl.u32 s1, $0x3;
	[sflag:s13] =	ssyncadd.s32 $0xFFFFC000  }
0x48: {  	s1 =	sadd.s32 s2, s1  }
0x49: {  	[tilespmem:s16], [sflag:$0x1] =	stream.linear.gather [hbm4b:s1+s5], $0x80, $0x38;
	[tilespmem:$0x1E900] =	vst v63  }
0x4a: {  	_ = 	snop  }
0x4b: {  	[tilespmem:s19], [sflag:$0x3] =	stream.indirect.gather [hbm4b:s6+s18], $0x80, s29, s18, $0xb8;
	[tilespmem:$0x1E900] =	vst v63  }
0x4c: {  	_ =	swait.ge [sflag:s23], $0x80  }
0x4d: {  	[sflag:s23] =	ssyncset.done $0x0  }
0x4e: {  	[sflag:s23] =	ssyncadd.s32 $0xFFFFFF80  }
0x4f: {  	_ =	swait.ge [sflag:s24], $0x4000  }
0x50: {  	s1 =	sand.u32 $0x7C00, s31;
	[sflag:s24] =	ssyncset.done $0x0  }
0x51: {  	s30 =	sand.u32 $0x380, s31;
	s1 =	sadd.s32 s4, s1;
	[sflag:s24] =	ssyncadd.s32 $0xFFFFC000  }
0x52: {  	[spmem:s3] =	stream.indirect.scatter.add.f32 [tilespmem:s20], [sflag:$0x5], $0x80, s17, s18, $0xb8;
	[tilespmem:$0x1E900] =	vst v63  }
.Ltmp0:
0x53: {  	_ = 	snop;
	(pc) =	sbr.rel @p0 .LBB2_2-.Ltmp0, $4  }
0x54: {  	s1 =	sor.u32 s30, s1;
	_ =	swait.ge [sflag:s13], $0x4000  }
0x55: {  	s1 =	sshrl.u32 s1, $0x3;
	[sflag:s13] =	ssyncset.done $0x0  }
0x56: {  	s29 =	sadd.s32 $0x100, s29;
	s1 =	sadd.s32 s2, s1;
	[sflag:s13] =	ssyncadd.s32 $0xFFFFC000  }
0x57: {  	[tilespmem:s17], [sflag:$0x2] =	stream.linear.gather [hbm4b:s1+s5], $0x80, $0x38;
	[tilespmem:$0x1E900] =	vst v63  }
0x58: {  	[tilespmem:s20], [sflag:$0x4] =	stream.indirect.gather [hbm4b:s6+s18], $0x80, s28, s18, $0xb8;
	[tilespmem:$0x1E900] =	vst v63  }
0x59: {  	_ =	swait.ge [sflag:s21], $0x80  }
0x5a: {  	[sflag:s21] =	ssyncset.done $0x0  }
0x5b: {  	[sflag:s21] =	ssyncadd.s32 $0xFFFFFF80  }
0x5c: {  	_ =	swait.ge [sflag:s22], $0x4000  }
0x5d: {  	[sflag:s22] =	ssyncset.done $0x0  }
0x5e: {  	[sflag:s22] =	ssyncadd.s32 $0xFFFFC000  }
0x5f: {  	[spmem:s3] =	stream.indirect.scatter.add.f32 [tilespmem:s19], [sflag:$0x5], $0x80, s16, s18, $0xb8;
	[tilespmem:$0x1E900] =	vst v63  }
0x60: {  	_ =	swait.ge [sflag:s13], $0x4000  }
0x61: {  	[sflag:s13] =	ssyncset.done $0x0  }
0x62: {  	[sflag:s13] =	ssyncadd.s32 $0xFFFFC000  }
0x63: {  	_ =	swait.ge [sflag:s23], $0x80  }
0x64: {  	[sflag:s23] =	ssyncset.done $0x0  }
0x65: {  	[sflag:s23] =	ssyncadd.s32 $0xFFFFFF80  }
0x66: {  	_ =	swait.ge [sflag:s24], $0x4000  }
0x67: {  	[sflag:s24] =	ssyncset.done $0x0  }
0x68: {  	[sflag:s24] =	ssyncadd.s32 $0xFFFFC000  }
0x69: {  	[spmem:s3] =	stream.indirect.scatter.add.f32 [tilespmem:s20], [sflag:$0x5], $0x80, s17, s18, $0xb8;
	[tilespmem:$0x1E900] =	vst v63  }
0x6a: {  	_ =	swait.ge [sflag:s13], $0x4000  }
0x6b: {  	s25 =	sadd.s32 $0x1, s25;
	[sflag:s13] =	ssyncset.done $0x0  }
0x6c: {  	p0 =	sne.s32 s25, s12;
	[sflag:s13] =	ssyncadd.s32 $0xFFFFC000  }
.Ltmp1:
0x6d: {  	[bflag:$0x0] =	sbarrier.arrive $0xFFFF;
	(pc) =	sbr.rel @p0 .LBB2_1-.Ltmp1, $4  }
0x6e: {  	[hbm:s11], [sflag:s14] =	dma.local [spmem:s15], $0x2800  }
0x6f: {  	_ =	swait.ge [sflag:s13], $0x2800  }
0x70: {  	[sflag:s13] =	ssyncset.done $0x0  }
0x71: {  	[sflag:s13] =	ssyncadd.s32 $0xFFFFD800  }
0x72: {  	_ =	sfence.sel $0x180000  }
0x73: {  	[bflag:$0x0] =	sbarrier.arrive $0xFFFF  }
0x74: {  	_ =	strace $0x9000004A  }
0x75: {  	[bflag:$0x2] =	sbarrier.arrive $0xFFFF  }
0x76: {  	p0 =	sne.s32 s0, $0x0;
	s0 =	rddreg [dreg:$0x3]  }
0x77: {  	s0 =	sadd.s32 @!p0 $0x100000, s0  }
0x78: {  	[sflag:s0] =	ssyncadd.tile.s32 @!p0 $0x1;
	_ =	shalt  }
.Lfunc_end2:
_tile_overlayer_lowered:
.L_overlay_start_2:
0x79: {  	(tag) =	ssettag $0x2  }
0x7a: {  	s0 =	rddreg [dreg:$0x0];
	s2 =	stileid.u32  }
0x7b: {  	s1 =	rddreg [dreg:$0x1];
	p0 =	sne.s32 s2, $0x0  }
0x7c: {  	s3 =	rddreg [dreg:$0x2];
	[bflag:$0x3] =	sbarrier.arrive $0xFFFF;
	s2 =	simm.s32 @!p0 $0x1C05  }
0x7d: {  	[timem:s3], [sflag:s2] =	dma.local @!p0 [hbm:s0], s1  }
0x7e: {  	s0 =	simm.s32 @!p0 $0x5  }
0x7f: {  	_ =	swait.ge @!p0 [sflag:s0], s1  }
0x80: {  	s1 =	ssub.s32 @!p0 $0x0, s1;
	[sflag:s0] =	ssyncset.done @!p0 $0x0  }
0x81: {  	[sflag:s0] =	ssyncadd.s32 @!p0 s1  }
0x82: {  	[bflag:$0x3] =	sbarrier.arrive $0xFFFF  }
0x83: {  	_ =	shalt  }

// kernel: kernel.16.cloned.1.call-start
scs
__scs_entry_jumppad:
0x0: {  	(pc) =	sbr.rel $0x88, $3  }
0x1: {  	(tag) =	ssettag $0x0;
	lr =	simm.s32 $0x1  }
0x2: {  	[smem:$0x3F96] =	sst lr;
	_ =	strace $0xD0000000  }
0x3: {  	_ = 	snop  }
0x4: {  	_ = 	snop  }
0x5: {  	_ = 	snop  }
0x6: {  	_ = 	snop  }
0x7: {  	_ = 	snop  }
__scs_overlays_trampoline_lowered:
0x8: {  	[smem:$0x3FA5] =	sst s0  }
0x9: {  	[smem:$0x3FA6] =	sst s1  }
0xa: {  	[smem:$0x3FA7] =	sst s2  }
0xb: {  	[smem:$0x3FA8] =	sst s3  }
0xc: {  	[smem:$0x3FA9] =	sst s4  }
0xd: {  	[smem:$0x3FAA] =	sst s5  }
0xe: {  	[smem:$0x3FAB] =	sst s6  }
0xf: {  	[smem:$0x3FAC] =	sst s7  }
0x10: {  	[smem:$0x3FAD] =	sst s8  }
0x11: {  	[smem:$0x3FAE] =	sst s9;
	s0 =	simm.s32 @!p0 $0x0  }
0x12: {  	s1 =	sld [smem:$0x3F94];
	s0 =	simm.s32 @p0 $0x1  }
0x13: {  	[smem:$0x3FAF] =	sst s0;
	s0 =	simm.s32 @!p1 $0x0  }
0x14: {  	s2 =	sld [smem:$0x3F93];
	s0 =	simm.s32 @p1 $0x1  }
0x15: {  	[smem:$0x3FB0] =	sst s0;
	s0 =	simm.s32 @!p2 $0x0  }
0x16: {  	s3 =	sld [smem:$0x3FDB];
	s0 =	simm.s32 @p2 $0x1  }
0x17: {  	s4 =	simm.s32 $0x1BF5;
	[smem:$0x3FB2] =	sst s0  }
0x18: {  	s0 =	sld [smem:$0x3F95];
	_ =	swait.ge [sflag:s4], $0x0  }
0x19: {  	s7 =	sld [smem:$0x3F96]  }
0x1a: {  	s8 =	sadd.s32 $0xFFFFE003, lr  }
0x1b: {  	s9 =	sadd.s32 $0xFFFFFEF7, lr;
	s5 =	simm.s32 $0xFFFFFFFF;
	p2 =	slt.u32 s8, $0xFFFFF086  }
0x1c: {  	p1 =	slt.u32 s9, $0xF7A;
	s5 =	simm.s32 @!p2 $0x0  }
0x1d: {  	s5 =	simm.s32 @p1 $0x1;
	p0 =	seq.s32 s7, s2  }
0x1e: {  	s7 =	smul.u32 @!p0 $0xF7A, s2;
	p2 =	seq.s32 @!p0 s5, $0x0  }
0x1f: {  	s9 =	smul.u32 $0xF7A, s1;
	s8 =	simm.s32 @!p0 $0x1BF5;
	p2 =	por !p2, p0  }
0x20: {  	[sflag:s8] =	ssyncset.s32 @!p0 $0xFFFFF086;
	s6 =	sadd.s32 @!p0 s3, s7;
	s7 =	simm.s32 @!p0 $0x108  }
0x21: {  	s3 =	sadd.s32 s3, s9;
	s6 =	sadd.s32 @!p0 $0x88, s6;
	s7 =	simm.s32 @p2 $0x1082  }
0x22: {  	[simem:s7], [sflag:s8] =	dma.local @!p0 [hbm:s6], $0xF7A  }
0x23: {  	s9 =	sor.u32 $0xD0000000, s2;
	s6 =	simm.s32 $0x108;
	_ =	swait.ge @!p0 [sflag:s8], $0x0  }
0x24: {  	s3 =	sadd.s32 $0x88, s3;
	s6 =	simm.s32 @!p1 $0x1082;
	[sflag:s4] =	ssyncset.s32 $0xFFFFF086  }
0x25: {  	[simem:s6], [sflag:s4] =	dma.local [hbm:s3], $0xF7A  }
0x26: {  	[smem:$0x3F96] =	sst s1;
	(tag) =	ssettag s2;
	_ =	strace s9  }
0x27: {  	s1 =	sld [smem:$0x3FA6]  }
0x28: {  	s2 =	sld [smem:$0x3FA7]  }
0x29: {  	s4 =	sld [smem:$0x3FA9]  }
0x2a: {  	p0 =	seq.s32 s5, $0x0;
	s5 =	sld [smem:$0x3FAA]  }
0x2b: {  	s6 =	sld [smem:$0x3FAB]  }
0x2c: {  	s7 =	sld [smem:$0x3FAC]  }
0x2d: {  	s3 =	simm.s32 $0x108;
	s8 =	sld [smem:$0x3FAD]  }
0x2e: {  	s3 =	simm.s32 @!p0 $0x1082;
	s9 =	sld [smem:$0x3FAE]  }
0x2f: {  	lr =	sadd.s32 s0, s3;
	s0 =	sld [smem:$0x3FA5]  }
0x30: {  	s3 =	sld [smem:$0x3FA8]  }
0x31: {  	[smem:$0x3FB1] =	sst s10  }
0x32: {  	s10 =	sld [smem:$0x3FAF];
	_ =	sdelay $0x3  }
0x33: {  	p0 =	seq.s32 s10, $0x1;
	s10 =	sld [smem:$0x3FB1];
	_ =	sdelay $0x3  }
0x34: {  	[smem:$0x3FB1] =	sst s10  }
0x35: {  	s10 =	sld [smem:$0x3FB0];
	_ =	sdelay $0x3  }
0x36: {  	p1 =	seq.s32 s10, $0x1;
	s10 =	sld [smem:$0x3FB1];
	_ =	sdelay $0x3  }
0x37: {  	[smem:$0x3FB1] =	sst s10  }
0x38: {  	s10 =	sld [smem:$0x3FB2]  }
0x39: {  	_ = 	snop;
	(pc) =	sbr.ind lr, $3  }
0x3a: {  	_ = 	snop  }
0x3b: {  	_ = 	snop  }
0x3c: {  	p2 =	seq.s32 s10, $0x1;
	s10 =	sld [smem:$0x3FB1]  }
0x3d: {  	_ =	shalt  }
0x3e: {  	_ =	shalt  }
0x3f: {  	_ =	shalt  }
0x40: {  	_ =	shalt  }
0x41: {  	_ =	shalt  }
0x42: {  	_ =	shalt  }
0x43: {  	_ =	shalt  }
0x44: {  	_ =	shalt  }
0x45: {  	_ =	shalt  }
0x46: {  	_ =	shalt  }
0x47: {  	_ =	shalt  }
0x48: {  	_ =	shalt  }
0x49: {  	_ =	shalt  }
0x4a: {  	_ =	shalt  }
0x4b: {  	_ =	shalt  }
0x4c: {  	_ =	shalt  }
0x4d: {  	_ =	shalt  }
0x4e: {  	_ =	shalt  }
0x4f: {  	_ =	shalt  }
0x50: {  	_ =	shalt  }
0x51: {  	_ =	shalt  }
0x52: {  	_ =	shalt  }
0x53: {  	_ =	shalt  }
0x54: {  	_ =	shalt  }
0x55: {  	_ =	shalt  }
0x56: {  	_ =	shalt  }
0x57: {  	_ =	shalt  }
0x58: {  	_ =	shalt  }
0x59: {  	_ =	shalt  }
0x5a: {  	_ =	shalt  }
0x5b: {  	_ =	shalt  }
0x5c: {  	_ =	shalt  }
0x5d: {  	_ =	shalt  }
0x5e: {  	_ =	shalt  }
0x5f: {  	_ =	shalt  }
0x60: {  	_ =	shalt  }
0x61: {  	_ =	shalt  }
0x62: {  	_ =	shalt  }
0x63: {  	_ =	shalt  }
0x64: {  	_ =	shalt  }
0x65: {  	_ =	shalt  }
0x66: {  	_ =	shalt  }
0x67: {  	_ =	shalt  }
0x68: {  	_ =	shalt  }
0x69: {  	_ =	shalt  }
0x6a: {  	_ =	shalt  }
0x6b: {  	_ =	shalt  }
0x6c: {  	_ =	shalt  }
0x6d: {  	_ =	shalt  }
0x6e: {  	_ =	shalt  }
0x6f: {  	_ =	shalt  }
0x70: {  	_ =	shalt  }
0x71: {  	_ =	shalt  }
0x72: {  	_ =	shalt  }
0x73: {  	_ =	shalt  }
0x74: {  	_ =	shalt  }
0x75: {  	_ =	shalt  }
0x76: {  	_ =	shalt  }
0x77: {  	_ =	shalt  }
0x78: {  	_ =	shalt  }
0x79: {  	_ =	shalt  }
0x7a: {  	_ =	shalt  }
0x7b: {  	_ =	shalt  }
0x7c: {  	_ =	shalt  }
0x7d: {  	_ =	shalt  }
0x7e: {  	_ =	shalt  }
0x7f: {  	_ =	shalt  }
0x80: {  	_ =	shalt  }
0x81: {  	_ =	shalt  }
0x82: {  	_ =	shalt  }
0x83: {  	_ =	shalt  }
0x84: {  	_ =	shalt  }
0x85: {  	_ =	shalt  }
0x86: {  	_ =	shalt  }
0x87: {  	_ =	shalt  }
.Lfunc_end0:
.L_simem_size_0:
called_computation.2_lowered:
.L_overlay_start_0:
0x88: {  	s2 =	sld [smem:$0x3FD9]  }
0x89: {  	s3 =	sld [smem:$0x3FFE];
	_ =	sdelay $0x1  }
0x8a: {  	s1 =	srdreg.scid  }
0x8b: {  	s0 =	sand.u32 $0x1, s1  }
0x8c: {  	s14 =	sshll.u32 s0, $0xA;
	s2 =	sadd.s32 s3, s2  }
0x8d: {  	s2 =	sadd.s32 s2, s14  }
0x8e: {  	[smem:$0x3FBD] =	sst s2  }
0x8f: {  	_ = 	snop  }
0x90: {  	s2 =	sld [smem:$0x3FD0];
	_ =	sdelay $0x2  }
0x91: {  	s15 =	simm.s32 $0xA;
	s4 =	simm.s32 $0x10  }
0x92: {  	[smem:s4], [sflag:s15] =	dma.local [hbm:s2], $0x1  }
0x93: {  	_ =	swait.eq [sflag:s15], $0x1  }
0x94: {  	[sflag:s15] =	ssyncset.done $0x0  }
0x95: {  	[sflag:s15] =	ssyncadd.s32 $0xFFFFFFFF  }
0x96: {  	s16 =	sld [smem:$0x10];
	(tm) =	ssettm $0x1  }
0x97: {  	s17 =	sld [smem:$0x3FFB];
	_ =	sdelay $0x3  }
0x98: {  	_ =	strace s17  }
0x99: {  	s3 =	sld [smem:$0x3FFC];
	_ =	sdelay $0x3  }
0x9a: {  	_ =	strace s3  }
0x9b: {  	s3 =	sld [smem:$0x3FFD];
	_ =	sdelay $0x3  }
0x9c: {  	_ =	strace s3  }
0x9d: {  	_ =	strace $0x8FFFFFFF  }
0x9e: {  	s18 =	sld [smem:$0x3FDB];
	_ =	sdelay $0x1  }
0x9f: {  	s19 =	simm.s32 $_scs_section_size  }
0xa0: {  	s5 =	simm.s32 $_size__tile_overlayer_lowered;
	s6 =	simm.s32 $_tile_overlayer_lowered  }
0xa1: {  	s22 =	simm.s32 $0x1BFF;
	s21 =	sshll.u32 s6, $0x1;
	s3 =	sadd.s32 s19, s18  }
0xa2: {  	s7 =	simm.s32 $0x0;
	s20 =	sshll.u32 s5, $0x1;
	s5 =	sadd.s32 s21, s3  }
0xa3: {  	[timem:s7], [sflag:s22] =	dma.local [hbm:s5], s20  }
0xa4: {  	_ =	swait.ge [sflag:s22], s20  }
0xa5: {  	s4 =	ssub.s32 $0x0, s20;
	[sflag:s22] =	ssyncset.done $0x0  }
0xa6: {  	[sflag:s22] =	ssyncadd.s32 s4;
	_ =	sdelay $0x1  }
0xa7: {  	s23 =	simm.s32 $0x1B8B  }
0xa8: {  	_ =	swait.ge [sflag:s23], $0x1  }
0xa9: {  	[sflag:s23] =	ssyncset.done $0x0  }
0xaa: {  	s25 =	simm.s32 $0x1B8E;
	s24 =	sld [smem:$0x3FFE];
	[sflag:s23] =	ssyncadd.s32 $0xFFFFFFFF  }
0xab: {  	s26 =	simm.s32 $execute0_lowered;
	[smem:$0x3FD2] =	sst s25  }
0xac: {  	s5 =	sshll.u32 s26, $0x1;
	_ =	strace $0x8000004C;
	[dreg:$0x1] =	wrdreg $0xFFFFFFFF  }
0xad: {  	s28 =	simm.s32 $_size_execute0_lowered;
	s3 =	sadd.s32 s3, s5;
	[dreg:$0x0] =	wrdreg $0x0  }
0xae: {  	s5 =	sshll.u32 s28, $0x1;
	[dreg:$0x2] =	wrdreg s3  }
0xaf: {  	[dreg:$0x3] =	wrdreg s5  }
0xb0: {  	[dreg:$0x4] =	wrdreg $0xC0  }
0xb1: {  	_ =	task [dreg:s7], $0x5FFFF  }
0xb2: {  	[dreg:$0x1] =	wrdreg $0xFFFFFFFF  }
0xb3: {  	[dreg:$0x0] =	wrdreg $0x60  }
0xb4: {  	[dreg:$0x2] =	wrdreg s24  }
0xb5: {  	[dreg:$0x3] =	wrdreg s16  }
0xb6: {  	[dreg:$0x4] =	wrdreg $0xA9000  }
0xb7: {  	[dreg:$0x5] =	wrdreg $0x9  }
0xb8: {  	_ =	task.clear_ibuf [dreg:s7], $0x6FFFF;
	_ =	strace $0x9000004C  }
0xb9: {  	s29 =	simm.s32 $0x9;
	_ =	strace $0x8000004E  }
0xba: {  	_ =	swait.ge [sflag:s29], $0x1  }
0xbb: {  	[sflag:s29] =	ssyncadd.s32 $0xFFFFFFFF  }
0xbc: {  	_ =	strace $0x9000004E  }
0xbd: {  	_ =	sfence  }
0xbe: {  	s30 =	sld [smem:$0x0];
	_ =	sdelay $0x2  }
0xbf: {  	s31 =	sshll.u32 s1, $0xD;
	s1 =	sshrl.u32 s1, $0x2  }
0xc0: {  	s3 =	sand.u32 $0x4000, s31;
	s1 =	sadd.s32 s1, s30  }
0xc1: {  	s0 =	sor.u32 s3, s0;
	s1 =	sshll.u32 s1, $0x11  }
0xc2: {  	s0 =	sor.u32 s1, s0  }
0xc3: {  	s0 =	sadd.s32 $0x8F2B, s0  }
0xc4: {  	[sflag:s0] =	ssyncadd.remote.s32 $0x1  }
0xc5: {  	_ =	sfence.sel $0xFFFF  }
0xc6: {  	[dreg:$0x0] =	wrdreg $0xFFFFFFFF;
	(pc) =	sbr.abs _section_cstart, $3  }
0xc7: {  	[dreg:$0x1] =	wrdreg $0xFFFFFFFF  }
0xc8: {  	_ =	task.clear_ibuf [dreg:s7], $0x2FFFF;
	_ =	strace $0x9FFFFFFF  }
0xc9: {  	(tm) =	ssettm $0x7FFFFFFF  }
tec
execute0_lowered:
.L_overlay_start_1:
0x0: {  	(tag) =	ssettag $0x1  }
0x1: {  	s8 =	rddreg [dreg:$0x0]  }
0x2: {  	s2 =	rddreg [dreg:$0x1]  }
0x3: {  	s0 =	srdreg.scid;
	s3 =	rddreg [dreg:$0x2]  }
0x4: {  	s5 =	simm.s32 $0x0;
	s17 =	simm.s32 $0x2880;
	s18 =	simm.s32 $0x80  }
0x5: {  	s19 =	simm.s32 $0x2900;
	s20 =	simm.s32 $0x6900;
	s21 =	simm.s32 $0x1  }
0x6: {  	s22 =	simm.s32 $0x3;
	s23 =	simm.s32 $0x2;
	s24 =	simm.s32 $0x4  }
0x7: {  	s25 =	simm.s32 $0x0;
	s7 =	sand.u32 $0x1, s0;
	s0 =	stileid.u32  }
0x8: {  	[smem:$0x7FF] =	sst s5;
	s6 =	sadd.s32 $0x6000, s8;
	s9 =	smul.u32 $0x140000, s7  }
0x9: {  	s1 =	sshll.u32 s7, $0x4;
	s10 =	smul.u32 $0x14000, s0;
	_ =	strace $0x8000004D  }
0xa: {  	s29 =	ssub.s32 $0x2, s7;
	s14 =	smul.u32 $0x50000, s0;
	s7 =	sadd.s32 $0x3800, s8  }
0xb: {  	s31 =	sshll.u32 s0, $0x6;
	s1 =	sor.u32 s0, s1;
	s13 =	sshrl.u32 s29, $0x1  }
0xc: {  	s4 =	smul.u32 $0x2800, s1;
	s9 =	sadd.s32 s10, s9;
	s13 =	ssub.s32 s29, s13  }
0xd: {  	s30 =	sshrl.u32 s14, $0x2;
	s14 =	sor.u32 $0x1C05, s31;
	s9 =	sshrl.u32 s9, $0x3  }
0xe: {  	s16 =	sadd.s32 s30, s3;
	s11 =	sshrl.u32 s4, $0x3;
	s15 =	sadd.s32 s9, s8  }
0xf: {  	s12 =	sadd.s32 s11, s8;
	s9 =	sadd.s32 s2, s11;
	s11 =	sadd.s32 $0x60000, s15  }
0x10: {  	s15 =	sshrl.u32 s16, $0x3;
	s16 =	simm.s32 $0x2800;
	s8 =	sadd.s32 $0x56000, s12  }
0x11: {  	s10 =	sadd.s32 $0x10, s9;
	s12 =	smax.u32 s13, $0x1;
	s13 =	simm.s32 $0x5  }
.LBB2_1:
0x12: {  	[tilespmem:s5], [sflag:$0x5] =	stream.linear.gather [hbm4b:s8+s5], $0x2800, $0x38;
	[tilespmem:$0x1E900] =	vst v63  }
0x13: {  	_ =	swait.ge [sflag:s13], $0x2800  }
0x14: {  	[sflag:s13] =	ssyncset.done $0x0  }
0x15: {  	[sflag:s13] =	ssyncadd.s32 $0xFFFFD800  }
0x16: {  	[spmem:s15], [sflag:s14] =	dma.local [hbm:s7], $0x2800  }
0x17: {  	_ =	swait.ge [sflag:s13], $0x2800  }
0x18: {  	[sflag:s13] =	ssyncset.done $0x0  }
0x19: {  	[sflag:s13] =	ssyncadd.s32 $0xFFFFD800  }
0x1a: {  	[bflag:$0x0] =	sbarrier.arrive $0xFFFF  }
0x1b: {  	[tilespmem:s16], [sflag:$0x1] =	stream.linear.gather [hbm4b:s9+s5], $0x80, $0x38;
	[tilespmem:$0x1E900] =	vst v63  }
0x1c: {  	_ = 	snop  }
0x1d: {  	[tilespmem:s17], [sflag:$0x2] =	stream.linear.gather [hbm4b:s10+s5], $0x80, $0x38;
	[tilespmem:$0x1E900] =	vst v63  }
0x1e: {  	_ = 	snop  }
0x1f: {  	[tilespmem:s19], [sflag:$0x3] =	stream.indirect.gather [hbm4b:s6+s18], $0x80, s5, s18, $0xb8;
	[tilespmem:$0x1E900] =	vst v63  }
0x20: {  	_ = 	snop  }
0x21: {  	[tilespmem:s20], [sflag:$0x4] =	stream.indirect.gather [hbm4b:s6+s18], $0x80, s18, s18, $0xb8;
	[tilespmem:$0x1E900] =	vst v63  }
0x22: {  	_ =	swait.ge [sflag:s21], $0x80  }
0x23: {  	[sflag:s21] =	ssyncset.done $0x0  }
0x24: {  	[sflag:s21] =	ssyncadd.s32 $0xFFFFFF80  }
0x25: {  	s26 =	simm.s32 $0x100;
	_ =	swait.ge [sflag:s22], $0x4000  }
0x26: {  	s28 =	sand.u32 $0x7C00, s26;
	[sflag:s22] =	ssyncset.done $0x0  }
0x27: {  	s26 =	sand.u32 $0x300, s26;
	s28 =	sadd.s32 s4, s28;
	[sflag:s22] =	ssyncadd.s32 $0xFFFFC000  }
0x28: {  	[spmem:s3] =	stream.indirect.scatter.add.f32 [tilespmem:s19], [sflag:$0x5], $0x80, s16, s18, $0xb8;
	[tilespmem:$0x1E900] =	vst v63  }
0x29: {  	s26 =	sor.u32 s26, s28;
	_ =	swait.ge [sflag:s13], $0x4000  }
0x2a: {  	s26 =	sshrl.u32 s26, $0x3;
	[sflag:s13] =	ssyncset.done $0x0  }
0x2b: {  	s26 =	sadd.s32 s2, s26;
	[sflag:s13] =	ssyncadd.s32 $0xFFFFC000  }
0x2c: {  	[tilespmem:s16], [sflag:$0x1] =	stream.linear.gather [hbm4b:s26+s5], $0x80, $0x38;
	[tilespmem:$0x1E900] =	vst v63  }
0x2d: {  	s30 =	simm.s32 $0x100  }
0x2e: {  	[tilespmem:s19], [sflag:$0x3] =	stream.indirect.gather [hbm4b:s6+s18], $0x80, s30, s18, $0xb8;
	[tilespmem:$0x1E900] =	vst v63  }
0x2f: {  	_ =	swait.ge [sflag:s23], $0x80  }
0x30: {  	[sflag:s23] =	ssyncset.done $0x0  }
0x31: {  	[sflag:s23] =	ssyncadd.s32 $0xFFFFFF80  }
0x32: {  	s31 =	simm.s32 $0x180;
	_ =	swait.ge [sflag:s24], $0x4000  }
0x33: {  	s28 =	sand.u32 $0x7C00, s31;
	[sflag:s24] =	ssyncset.done $0x0  }
0x34: {  	s28 =	sadd.s32 s4, s28;
	s26 =	sand.u32 $0x380, s31;
	[sflag:s24] =	ssyncadd.s32 $0xFFFFC000  }
0x35: {  	[spmem:s3] =	stream.indirect.scatter.add.f32 [tilespmem:s20], [sflag:$0x5], $0x80, s17, s18, $0xb8;
	[tilespmem:$0x1E900] =	vst v63  }
0x36: {  	s26 =	sor.u32 s26, s28;
	_ =	swait.ge [sflag:s13], $0x4000  }
0x37: {  	s26 =	sshrl.u32 s26, $0x3;
	[sflag:s13] =	ssyncset.done $0x0  }
0x38: {  	s26 =	sadd.s32 s2, s26;
	[sflag:s13] =	ssyncadd.s32 $0xFFFFC000  }
0x39: {  	[tilespmem:s17], [sflag:$0x2] =	stream.linear.gather [hbm4b:s26+s5], $0x80, $0x38;
	[tilespmem:$0x1E900] =	vst v63  }
0x3a: {  	s29 =	simm.s32 $0x200;
	s28 =	simm.s32 $0x180;
	s26 =	simm.s32 $0x280  }
.LBB2_2:
0x3b: {  	s30 =	sadd.s32 $0x80, s29  }
0x3c: {  	p0 =	sne.s32 s26, $0x2780;
	s31 =	smov.u32 s26;
	s26 =	sadd.s32 $0x100, s26  }
0x3d: {  	[tilespmem:s20], [sflag:$0x4] =	stream.indirect.gather [hbm4b:s6+s18], $0x80, s28, s18, $0xb8;
	[tilespmem:$0x1E900] =	vst v63  }
0x3e: {  	s28 =	smov.u32 s30;
	_ =	swait.ge [sflag:s21], $0x80  }
0x3f: {  	[sflag:s21] =	ssyncset.done $0x0  }
0x40: {  	[sflag:s21] =	ssyncadd.s32 $0xFFFFFF80  }
0x41: {  	_ =	swait.ge [sflag:s22], $0x4000  }
0x42: {  	s30 =	sadd.s32 $0xFFFFFF80, s31;
	[sflag:s22] =	ssyncset.done $0x0  }
0x43: {  	s1 =	sand.u32 $0x7C00, s30;
	s30 =	sand.u32 $0x300, s30;
	[sflag:s22] =	ssyncadd.s32 $0xFFFFC000  }
0x44: {  	[spmem:s3] =	stream.indirect.scatter.add.f32 [tilespmem:s19], [sflag:$0x5], $0x80, s16, s18, $0xb8;
	[tilespmem:$0x1E900] =	vst v63  }
0x45: {  	s1 =	sadd.s32 s4, s1;
	_ =	swait.ge [sflag:s13], $0x4000  }
0x46: {  	s1 =	sor.u32 s30, s1;
	[sflag:s13] =	ssyncset.done $0x0  }
0x47: {  	s1 =	sshrl.u32 s1, $0x3;
	[sflag:s13] =	ssyncadd.s32 $0xFFFFC000  }
0x48: {  	s1 =	sadd.s32 s2, s1  }
0x49: {  	[tilespmem:s16], [sflag:$0x1] =	stream.linear.gather [hbm4b:s1+s5], $0x80, $0x38;
	[tilespmem:$0x1E900] =	vst v63  }
0x4a: {  	_ = 	snop  }
0x4b: {  	[tilespmem:s19], [sflag:$0x3] =	stream.indirect.gather [hbm4b:s6+s18], $0x80, s29, s18, $0xb8;
	[tilespmem:$0x1E900] =	vst v63  }
0x4c: {  	_ =	swait.ge [sflag:s23], $0x80  }
0x4d: {  	[sflag:s23] =	ssyncset.done $0x0  }
0x4e: {  	[sflag:s23] =	ssyncadd.s32 $0xFFFFFF80  }
0x4f: {  	_ =	swait.ge [sflag:s24], $0x4000  }
0x50: {  	s1 =	sand.u32 $0x7C00, s31;
	[sflag:s24] =	ssyncset.done $0x0  }
0x51: {  	s30 =	sand.u32 $0x380, s31;
	s1 =	sadd.s32 s4, s1;
	[sflag:s24] =	ssyncadd.s32 $0xFFFFC000  }
0x52: {  	[spmem:s3] =	stream.indirect.scatter.add.f32 [tilespmem:s20], [sflag:$0x5], $0x80, s17, s18, $0xb8;
	[tilespmem:$0x1E900] =	vst v63  }
.Ltmp0:
0x53: {  	_ = 	snop;
	(pc) =	sbr.rel @p0 .LBB2_2-.Ltmp0, $4  }
0x54: {  	s1 =	sor.u32 s30, s1;
	_ =	swait.ge [sflag:s13], $0x4000  }
0x55: {  	s1 =	sshrl.u32 s1, $0x3;
	[sflag:s13] =	ssyncset.done $0x0  }
0x56: {  	s29 =	sadd.s32 $0x100, s29;
	s1 =	sadd.s32 s2, s1;
	[sflag:s13] =	ssyncadd.s32 $0xFFFFC000  }
0x57: {  	[tilespmem:s17], [sflag:$0x2] =	stream.linear.gather [hbm4b:s1+s5], $0x80, $0x38;
	[tilespmem:$0x1E900] =	vst v63  }
0x58: {  	[tilespmem:s20], [sflag:$0x4] =	stream.indirect.gather [hbm4b:s6+s18], $0x80, s28, s18, $0xb8;
	[tilespmem:$0x1E900] =	vst v63  }
0x59: {  	_ =	swait.ge [sflag:s21], $0x80  }
0x5a: {  	[sflag:s21] =	ssyncset.done $0x0  }
0x5b: {  	[sflag:s21] =	ssyncadd.s32 $0xFFFFFF80  }
0x5c: {  	_ =	swait.ge [sflag:s22], $0x4000  }
0x5d: {  	[sflag:s22] =	ssyncset.done $0x0  }
0x5e: {  	[sflag:s22] =	ssyncadd.s32 $0xFFFFC000  }
0x5f: {  	[spmem:s3] =	stream.indirect.scatter.add.f32 [tilespmem:s19], [sflag:$0x5], $0x80, s16, s18, $0xb8;
	[tilespmem:$0x1E900] =	vst v63  }
0x60: {  	_ =	swait.ge [sflag:s13], $0x4000  }
0x61: {  	[sflag:s13] =	ssyncset.done $0x0  }
0x62: {  	[sflag:s13] =	ssyncadd.s32 $0xFFFFC000  }
0x63: {  	_ =	swait.ge [sflag:s23], $0x80  }
0x64: {  	[sflag:s23] =	ssyncset.done $0x0  }
0x65: {  	[sflag:s23] =	ssyncadd.s32 $0xFFFFFF80  }
0x66: {  	_ =	swait.ge [sflag:s24], $0x4000  }
0x67: {  	[sflag:s24] =	ssyncset.done $0x0  }
0x68: {  	[sflag:s24] =	ssyncadd.s32 $0xFFFFC000  }
0x69: {  	[spmem:s3] =	stream.indirect.scatter.add.f32 [tilespmem:s20], [sflag:$0x5], $0x80, s17, s18, $0xb8;
	[tilespmem:$0x1E900] =	vst v63  }
0x6a: {  	_ =	swait.ge [sflag:s13], $0x4000  }
0x6b: {  	s25 =	sadd.s32 $0x1, s25;
	[sflag:s13] =	ssyncset.done $0x0  }
0x6c: {  	p0 =	sne.s32 s25, s12;
	[sflag:s13] =	ssyncadd.s32 $0xFFFFC000  }
.Ltmp1:
0x6d: {  	[bflag:$0x0] =	sbarrier.arrive $0xFFFF;
	(pc) =	sbr.rel @p0 .LBB2_1-.Ltmp1, $4  }
0x6e: {  	[hbm:s11], [sflag:s14] =	dma.local [spmem:s15], $0x2800  }
0x6f: {  	_ =	swait.ge [sflag:s13], $0x2800  }
0x70: {  	[sflag:s13] =	ssyncset.done $0x0  }
0x71: {  	[sflag:s13] =	ssyncadd.s32 $0xFFFFD800  }
0x72: {  	_ =	sfence.sel $0x180000  }
0x73: {  	[bflag:$0x0] =	sbarrier.arrive $0xFFFF  }
0x74: {  	_ =	strace $0x9000004D  }
0x75: {  	[bflag:$0x2] =	sbarrier.arrive $0xFFFF  }
0x76: {  	p0 =	sne.s32 s0, $0x0;
	s0 =	rddreg [dreg:$0x3]  }
0x77: {  	s0 =	sadd.s32 @!p0 $0x100000, s0  }
0x78: {  	[sflag:s0] =	ssyncadd.tile.s32 @!p0 $0x1;
	_ =	shalt  }
.Lfunc_end2:
_tile_overlayer_lowered:
.L_overlay_start_2:
0x79: {  	(tag) =	ssettag $0x2  }
0x7a: {  	s0 =	rddreg [dreg:$0x0];
	s2 =	stileid.u32  }
0x7b: {  	s1 =	rddreg [dreg:$0x1];
	p0 =	sne.s32 s2, $0x0  }
0x7c: {  	s3 =	rddreg [dreg:$0x2];
	[bflag:$0x3] =	sbarrier.arrive $0xFFFF;
	s2 =	simm.s32 @!p0 $0x1C05  }
0x7d: {  	[timem:s3], [sflag:s2] =	dma.local @!p0 [hbm:s0], s1  }
0x7e: {  	s0 =	simm.s32 @!p0 $0x5  }
0x7f: {  	_ =	swait.ge @!p0 [sflag:s0], s1  }
0x80: {  	s1 =	ssub.s32 @!p0 $0x0, s1;
	[sflag:s0] =	ssyncset.done @!p0 $0x0  }
0x81: {  	[sflag:s0] =	ssyncadd.s32 @!p0 s1  }
0x82: {  	[bflag:$0x3] =	sbarrier.arrive $0xFFFF  }
0x83: {  	_ =	shalt  }

// kernel: kernel.19.cloned.1.call-start
scs
__scs_entry_jumppad:
0x0: {  	(pc) =	sbr.rel $0x88, $3  }
0x1: {  	(tag) =	ssettag $0x0;
	lr =	simm.s32 $0x1  }
0x2: {  	[smem:$0x3F96] =	sst lr;
	_ =	strace $0xD0000000  }
0x3: {  	_ = 	snop  }
0x4: {  	_ = 	snop  }
0x5: {  	_ = 	snop  }
0x6: {  	_ = 	snop  }
0x7: {  	_ = 	snop  }
__scs_overlays_trampoline_lowered:
0x8: {  	[smem:$0x3FA5] =	sst s0  }
0x9: {  	[smem:$0x3FA6] =	sst s1  }
0xa: {  	[smem:$0x3FA7] =	sst s2  }
0xb: {  	[smem:$0x3FA8] =	sst s3  }
0xc: {  	[smem:$0x3FA9] =	sst s4  }
0xd: {  	[smem:$0x3FAA] =	sst s5  }
0xe: {  	[smem:$0x3FAB] =	sst s6  }
0xf: {  	[smem:$0x3FAC] =	sst s7  }
0x10: {  	[smem:$0x3FAD] =	sst s8  }
0x11: {  	[smem:$0x3FAE] =	sst s9;
	s0 =	simm.s32 @!p0 $0x0  }
0x12: {  	s1 =	sld [smem:$0x3F94];
	s0 =	simm.s32 @p0 $0x1  }
0x13: {  	[smem:$0x3FAF] =	sst s0;
	s0 =	simm.s32 @!p1 $0x0  }
0x14: {  	s2 =	sld [smem:$0x3F93];
	s0 =	simm.s32 @p1 $0x1  }
0x15: {  	[smem:$0x3FB0] =	sst s0;
	s0 =	simm.s32 @!p2 $0x0  }
0x16: {  	s3 =	sld [smem:$0x3FDB];
	s0 =	simm.s32 @p2 $0x1  }
0x17: {  	s4 =	simm.s32 $0x1BF5;
	[smem:$0x3FB2] =	sst s0  }
0x18: {  	s0 =	sld [smem:$0x3F95];
	_ =	swait.ge [sflag:s4], $0x0  }
0x19: {  	s7 =	sld [smem:$0x3F96]  }
0x1a: {  	s8 =	sadd.s32 $0xFFFFE003, lr  }
0x1b: {  	s9 =	sadd.s32 $0xFFFFFEF7, lr;
	s5 =	simm.s32 $0xFFFFFFFF;
	p2 =	slt.u32 s8, $0xFFFFF086  }
0x1c: {  	p1 =	slt.u32 s9, $0xF7A;
	s5 =	simm.s32 @!p2 $0x0  }
0x1d: {  	s5 =	simm.s32 @p1 $0x1;
	p0 =	seq.s32 s7, s2  }
0x1e: {  	s7 =	smul.u32 @!p0 $0xF7A, s2;
	p2 =	seq.s32 @!p0 s5, $0x0  }
0x1f: {  	s9 =	smul.u32 $0xF7A, s1;
	s8 =	simm.s32 @!p0 $0x1BF5;
	p2 =	por !p2, p0  }
0x20: {  	[sflag:s8] =	ssyncset.s32 @!p0 $0xFFFFF086;
	s6 =	sadd.s32 @!p0 s3, s7;
	s7 =	simm.s32 @!p0 $0x108  }
0x21: {  	s3 =	sadd.s32 s3, s9;
	s6 =	sadd.s32 @!p0 $0x88, s6;
	s7 =	simm.s32 @p2 $0x1082  }
0x22: {  	[simem:s7], [sflag:s8] =	dma.local @!p0 [hbm:s6], $0xF7A  }
0x23: {  	s9 =	sor.u32 $0xD0000000, s2;
	s6 =	simm.s32 $0x108;
	_ =	swait.ge @!p0 [sflag:s8], $0x0  }
0x24: {  	s3 =	sadd.s32 $0x88, s3;
	s6 =	simm.s32 @!p1 $0x1082;
	[sflag:s4] =	ssyncset.s32 $0xFFFFF086  }
0x25: {  	[simem:s6], [sflag:s4] =	dma.local [hbm:s3], $0xF7A  }
0x26: {  	[smem:$0x3F96] =	sst s1;
	(tag) =	ssettag s2;
	_ =	strace s9  }
0x27: {  	s1 =	sld [smem:$0x3FA6]  }
0x28: {  	s2 =	sld [smem:$0x3FA7]  }
0x29: {  	s4 =	sld [smem:$0x3FA9]  }
0x2a: {  	p0 =	seq.s32 s5, $0x0;
	s5 =	sld [smem:$0x3FAA]  }
0x2b: {  	s6 =	sld [smem:$0x3FAB]  }
0x2c: {  	s7 =	sld [smem:$0x3FAC]  }
0x2d: {  	s3 =	simm.s32 $0x108;
	s8 =	sld [smem:$0x3FAD]  }
0x2e: {  	s3 =	simm.s32 @!p0 $0x1082;
	s9 =	sld [smem:$0x3FAE]  }
0x2f: {  	lr =	sadd.s32 s0, s3;
	s0 =	sld [smem:$0x3FA5]  }
0x30: {  	s3 =	sld [smem:$0x3FA8]  }
0x31: {  	[smem:$0x3FB1] =	sst s10  }
0x32: {  	s10 =	sld [smem:$0x3FAF];
	_ =	sdelay $0x3  }
0x33: {  	p0 =	seq.s32 s10, $0x1;
	s10 =	sld [smem:$0x3FB1];
	_ =	sdelay $0x3  }
0x34: {  	[smem:$0x3FB1] =	sst s10  }
0x35: {  	s10 =	sld [smem:$0x3FB0];
	_ =	sdelay $0x3  }
0x36: {  	p1 =	seq.s32 s10, $0x1;
	s10 =	sld [smem:$0x3FB1];
	_ =	sdelay $0x3  }
0x37: {  	[smem:$0x3FB1] =	sst s10  }
0x38: {  	s10 =	sld [smem:$0x3FB2]  }
0x39: {  	_ = 	snop;
	(pc) =	sbr.ind lr, $3  }
0x3a: {  	_ = 	snop  }
0x3b: {  	_ = 	snop  }
0x3c: {  	p2 =	seq.s32 s10, $0x1;
	s10 =	sld [smem:$0x3FB1]  }
0x3d: {  	_ =	shalt  }
0x3e: {  	_ =	shalt  }
0x3f: {  	_ =	shalt  }
0x40: {  	_ =	shalt  }
0x41: {  	_ =	shalt  }
0x42: {  	_ =	shalt  }
0x43: {  	_ =	shalt  }
0x44: {  	_ =	shalt  }
0x45: {  	_ =	shalt  }
0x46: {  	_ =	shalt  }
0x47: {  	_ =	shalt  }
0x48: {  	_ =	shalt  }
0x49: {  	_ =	shalt  }
0x4a: {  	_ =	shalt  }
0x4b: {  	_ =	shalt  }
0x4c: {  	_ =	shalt  }
0x4d: {  	_ =	shalt  }
0x4e: {  	_ =	shalt  }
0x4f: {  	_ =	shalt  }
0x50: {  	_ =	shalt  }
0x51: {  	_ =	shalt  }
0x52: {  	_ =	shalt  }
0x53: {  	_ =	shalt  }
0x54: {  	_ =	shalt  }
0x55: {  	_ =	shalt  }
0x56: {  	_ =	shalt  }
0x57: {  	_ =	shalt  }
0x58: {  	_ =	shalt  }
0x59: {  	_ =	shalt  }
0x5a: {  	_ =	shalt  }
0x5b: {  	_ =	shalt  }
0x5c: {  	_ =	shalt  }
0x5d: {  	_ =	shalt  }
0x5e: {  	_ =	shalt  }
0x5f: {  	_ =	shalt  }
0x60: {  	_ =	shalt  }
0x61: {  	_ =	shalt  }
0x62: {  	_ =	shalt  }
0x63: {  	_ =	shalt  }
0x64: {  	_ =	shalt  }
0x65: {  	_ =	shalt  }
0x66: {  	_ =	shalt  }
0x67: {  	_ =	shalt  }
0x68: {  	_ =	shalt  }
0x69: {  	_ =	shalt  }
0x6a: {  	_ =	shalt  }
0x6b: {  	_ =	shalt  }
0x6c: {  	_ =	shalt  }
0x6d: {  	_ =	shalt  }
0x6e: {  	_ =	shalt  }
0x6f: {  	_ =	shalt  }
0x70: {  	_ =	shalt  }
0x71: {  	_ =	shalt  }
0x72: {  	_ =	shalt  }
0x73: {  	_ =	shalt  }
0x74: {  	_ =	shalt  }
0x75: {  	_ =	shalt  }
0x76: {  	_ =	shalt  }
0x77: {  	_ =	shalt  }
0x78: {  	_ =	shalt  }
0x79: {  	_ =	shalt  }
0x7a: {  	_ =	shalt  }
0x7b: {  	_ =	shalt  }
0x7c: {  	_ =	shalt  }
0x7d: {  	_ =	shalt  }
0x7e: {  	_ =	shalt  }
0x7f: {  	_ =	shalt  }
0x80: {  	_ =	shalt  }
0x81: {  	_ =	shalt  }
0x82: {  	_ =	shalt  }
0x83: {  	_ =	shalt  }
0x84: {  	_ =	shalt  }
0x85: {  	_ =	shalt  }
0x86: {  	_ =	shalt  }
0x87: {  	_ =	shalt  }
.Lfunc_end0:
.L_simem_size_0:
called_computation.3_lowered:
.L_overlay_start_0:
0x88: {  	s2 =	sld [smem:$0x3FD9]  }
0x89: {  	s3 =	sld [smem:$0x3FFE];
	_ =	sdelay $0x1  }
0x8a: {  	s1 =	srdreg.scid  }
0x8b: {  	s0 =	sand.u32 $0x1, s1  }
0x8c: {  	s14 =	sshll.u32 s0, $0xA;
	s2 =	sadd.s32 s3, s2  }
0x8d: {  	s2 =	sadd.s32 s2, s14  }
0x8e: {  	[smem:$0x3FBD] =	sst s2  }
0x8f: {  	_ = 	snop  }
0x90: {  	s2 =	sld [smem:$0x3FD0];
	_ =	sdelay $0x2  }
0x91: {  	s15 =	simm.s32 $0xA;
	s4 =	simm.s32 $0x10  }
0x92: {  	[smem:s4], [sflag:s15] =	dma.local [hbm:s2], $0x1  }
0x93: {  	_ =	swait.eq [sflag:s15], $0x1  }
0x94: {  	[sflag:s15] =	ssyncset.done $0x0  }
0x95: {  	[sflag:s15] =	ssyncadd.s32 $0xFFFFFFFF  }
0x96: {  	s16 =	sld [smem:$0x11];
	(tm) =	ssettm $0x1  }
0x97: {  	s17 =	sld [smem:$0x3FFB];
	_ =	sdelay $0x3  }
0x98: {  	_ =	strace s17  }
0x99: {  	s3 =	sld [smem:$0x3FFC];
	_ =	sdelay $0x3  }
0x9a: {  	_ =	strace s3  }
0x9b: {  	s3 =	sld [smem:$0x3FFD];
	_ =	sdelay $0x3  }
0x9c: {  	_ =	strace s3  }
0x9d: {  	_ =	strace $0x8FFFFFFF  }
0x9e: {  	s18 =	sld [smem:$0x3FDB];
	_ =	sdelay $0x1  }
0x9f: {  	s19 =	simm.s32 $_scs_section_size  }
0xa0: {  	s5 =	simm.s32 $_size__tile_overlayer_lowered;
	s6 =	simm.s32 $_tile_overlayer_lowered  }
0xa1: {  	s22 =	simm.s32 $0x1BFF;
	s21 =	sshll.u32 s6, $0x1;
	s3 =	sadd.s32 s19, s18  }
0xa2: {  	s7 =	simm.s32 $0x0;
	s20 =	sshll.u32 s5, $0x1;
	s5 =	sadd.s32 s21, s3  }
0xa3: {  	[timem:s7], [sflag:s22] =	dma.local [hbm:s5], s20  }
0xa4: {  	_ =	swait.ge [sflag:s22], s20  }
0xa5: {  	s4 =	ssub.s32 $0x0, s20;
	[sflag:s22] =	ssyncset.done $0x0  }
0xa6: {  	[sflag:s22] =	ssyncadd.s32 s4;
	_ =	sdelay $0x1  }
0xa7: {  	s23 =	simm.s32 $0x1B8B  }
0xa8: {  	_ =	swait.ge [sflag:s23], $0x1  }
0xa9: {  	[sflag:s23] =	ssyncset.done $0x0  }
0xaa: {  	s25 =	simm.s32 $0x1B8E;
	s24 =	sld [smem:$0x3FFE];
	[sflag:s23] =	ssyncadd.s32 $0xFFFFFFFF  }
0xab: {  	s26 =	simm.s32 $execute0_lowered;
	[smem:$0x3FD2] =	sst s25  }
0xac: {  	s5 =	sshll.u32 s26, $0x1;
	_ =	strace $0x8000004F;
	[dreg:$0x1] =	wrdreg $0xFFFFFFFF  }
0xad: {  	s28 =	simm.s32 $_size_execute0_lowered;
	s3 =	sadd.s32 s3, s5;
	[dreg:$0x0] =	wrdreg $0x0  }
0xae: {  	s5 =	sshll.u32 s28, $0x1;
	[dreg:$0x2] =	wrdreg s3  }
0xaf: {  	[dreg:$0x3] =	wrdreg s5  }
0xb0: {  	[dreg:$0x4] =	wrdreg $0xC0  }
0xb1: {  	_ =	task [dreg:s7], $0x5FFFF  }
0xb2: {  	[dreg:$0x1] =	wrdreg $0xFFFFFFFF  }
0xb3: {  	[dreg:$0x0] =	wrdreg $0x60  }
0xb4: {  	[dreg:$0x2] =	wrdreg s24  }
0xb5: {  	[dreg:$0x3] =	wrdreg s16  }
0xb6: {  	[dreg:$0x4] =	wrdreg $0xC4000  }
0xb7: {  	[dreg:$0x5] =	wrdreg $0xC8400  }
0xb8: {  	[dreg:$0x6] =	wrdreg $0x9  }
0xb9: {  	_ =	task.clear_ibuf [dreg:s7], $0x7FFFF;
	_ =	strace $0x9000004F  }
0xba: {  	s29 =	simm.s32 $0x9;
	_ =	strace $0x80000051  }
0xbb: {  	_ =	swait.ge [sflag:s29], $0x1  }
0xbc: {  	[sflag:s29] =	ssyncadd.s32 $0xFFFFFFFF  }
0xbd: {  	_ =	strace $0x90000051  }
0xbe: {  	_ =	sfence  }
0xbf: {  	s30 =	sld [smem:$0x0];
	_ =	sdelay $0x2  }
0xc0: {  	s31 =	sshll.u32 s1, $0xD;
	s1 =	sshrl.u32 s1, $0x2  }
0xc1: {  	s3 =	sand.u32 $0x4000, s31;
	s1 =	sadd.s32 s1, s30  }
0xc2: {  	s0 =	sor.u32 s3, s0;
	s1 =	sshll.u32 s1, $0x11  }
0xc3: {  	s0 =	sor.u32 s1, s0  }
0xc4: {  	s0 =	sadd.s32 $0x8F2B, s0  }
0xc5: {  	[sflag:s0] =	ssyncadd.remote.s32 $0x1  }
0xc6: {  	_ =	sfence.sel $0xFFFF  }
0xc7: {  	[dreg:$0x0] =	wrdreg $0xFFFFFFFF;
	(pc) =	sbr.abs _section_cstart, $3  }
0xc8: {  	[dreg:$0x1] =	wrdreg $0xFFFFFFFF  }
0xc9: {  	_ =	task.clear_ibuf [dreg:s7], $0x2FFFF;
	_ =	strace $0x9FFFFFFF  }
0xca: {  	(tm) =	ssettm $0x7FFFFFFF  }
0xcb: {  	_ =	shalt  }
tec
execute0_lowered:
.L_overlay_start_1:
0x0: {  	(tag) =	ssettag $0x1  }
0x1: {  	s24 =	rddreg [dreg:$0x0];
	s0 =	srdreg.scid  }
0x2: {  	s1 =	rddreg [dreg:$0x1];
	s25 =	sand.u32 $0x1, s0  }
0x3: {  	s2 =	rddreg [dreg:$0x2];
	s10 =	stileid.u32;
	s5 =	sshll.u32 s25, $0x4  }
0x4: {  	s3 =	rddreg [dreg:$0x3];
	s4 =	simm.s32 $0x0;
	s5 =	sor.u32 s10, s5  }
0x5: {  	[smem:$0x7FF] =	sst s4;
	s6 =	sshll.u32 s5, $0x7  }
0x6: {  	s0 =	rddreg [dreg:$0x4];
	_ =	strace $0x80000050;
	s6 =	sadd.s32 s6, s24  }
0x7: {  	s7 =	smul.u32 $0x1400, s5;
	s5 =	sadd.s32 $0x2E000, s6;
	s6 =	simm.s32 $0x1  }
0x8: {  	[tilespmem:s4], [sflag:$0x1] =	stream.linear.gather [hbm4b:s5+s4], $0x280, $0x38;
	[tilespmem:$0xCC80] =	vst v63  }
0x9: {  	_ =	swait.ge [sflag:s6], $0x280  }
0xa: {  	s7 =	sadd.s32 s7, s24;
	[sflag:s6] =	ssyncset.done $0x0  }
0xb: {  	s8 =	simm.s32 $0x400;
	s7 =	sadd.s32 $0x3800, s7;
	[sflag:s6] =	ssyncadd.s32 $0xFFFFFD80  }
0xc: {  	[tilespmem:s8], [sflag:$0x1] =	stream.linear.gather [hbm4b:s7+s4], $0xA000, $0x38;
	[tilespmem:$0xCC80] =	vst v63  }
0xd: {  	_ =	swait.ge [sflag:s6], $0xA000  }
0xe: {  	[sflag:s6] =	ssyncset.done $0x0  }
0xf: {  	s9 =	simm.s32 $0xA400;
	[sflag:s6] =	ssyncadd.s32 $0xFFFF6000  }
0x10: {  	[tilespmem:s9], [sflag:$0x1] =	stream.linear.gather [hbm4b:s1+s4], $0x2000, $0x38;
	[tilespmem:$0xCC80] =	vst v63  }
0x11: {  	p0 =	sne.s32 s10, $0x0;
	_ =	swait.ge [sflag:s6], $0x2000  }
0x12: {  	s12 =	sshrl.u32 @!p0 s2, $0x3;
	s13 =	simm.s32 @!p0 $0x1C01;
	[sflag:s6] =	ssyncset.done $0x0  }
0x13: {  	s11 =	simm.s32 @!p0 $0x1;
	s10 =	sadd.s32 $0x2B800, s24;
	[sflag:s6] =	ssyncadd.s32 $0xFFFFE000  }
0x14: {  	[spmem:s12], [sflag:s13] =	dma.local @!p0 [hbm:s10], $0x880  }
0x15: {  	_ =	swait.ge @!p0 [sflag:s11], $0x880  }
0x16: {  	[sflag:s11] =	ssyncset.done @!p0 $0x0  }
0x17: {  	s14 =	sshrl.u32 @!p0 s3, $0x3;
	[sflag:s11] =	ssyncadd.s32 @!p0 $0xFFFFF780  }
0x18: {  	[spmem:s14], [sflag:s13] =	dma.local @!p0 [hbm:s10], $0x880  }
0x19: {  	_ =	swait.ge @!p0 [sflag:s11], $0x880  }
0x1a: {  	[sflag:s11] =	ssyncset.done @!p0 $0x0  }
0x1b: {  	[sflag:s11] =	ssyncadd.s32 @!p0 $0xFFFFF780  }
0x1c: {  	s15 =	simm.s32 $0x40;
	[bflag:$0x0] =	sbarrier.arrive $0xFFFF  }
0x1d: {  	[spmem:s2] =	stream.indirect.scatter.add.f32 [tilespmem:s8], [sflag:$0x1], $0x80, s4, s15, $0xb8;
	[tilespmem:$0xCC80] =	vst v63  }
0x1e: {  	_ =	swait.ge [sflag:s6], $0x2000  }
0x1f: {  	[sflag:s6] =	ssyncset.done $0x0  }
0x20: {  	[sflag:s6] =	ssyncadd.s32 $0xFFFFE000  }
0x21: {  	[spmem:s3] =	stream.indirect.scatter.add.f32 [tilespmem:s9], [sflag:$0x1], $0x80, s4, s15, $0xb8;
	[tilespmem:$0xCC80] =	vst v63  }
0x22: {  	_ =	swait.ge [sflag:s6], $0x2000  }
0x23: {  	[sflag:s6] =	ssyncset.done $0x0  }
0x24: {  	s16 =	simm.s32 $0x80;
	s17 =	simm.s32 $0x2400;
	[sflag:s6] =	ssyncadd.s32 $0xFFFFE000  }
0x25: {  	[spmem:s2] =	stream.indirect.scatter.add.f32 [tilespmem:s17], [sflag:$0x1], $0x80, s16, s15, $0xb8;
	[tilespmem:$0xCC80] =	vst v63  }
0x26: {  	_ =	swait.ge [sflag:s6], $0x2000  }
0x27: {  	[sflag:s6] =	ssyncset.done $0x0  }
0x28: {  	[sflag:s6] =	ssyncadd.s32 $0xFFFFE000  }
0x29: {  	[spmem:s3] =	stream.indirect.scatter.add.f32 [tilespmem:s9], [sflag:$0x1], $0x80, s16, s15, $0xb8;
	[tilespmem:$0xCC80] =	vst v63  }
0x2a: {  	_ =	swait.ge [sflag:s6], $0x2000  }
0x2b: {  	[sflag:s6] =	ssyncset.done $0x0  }
0x2c: {  	s18 =	simm.s32 $0x100;
	s19 =	simm.s32 $0x4400;
	[sflag:s6] =	ssyncadd.s32 $0xFFFFE000  }
0x2d: {  	[spmem:s2] =	stream.indirect.scatter.add.f32 [tilespmem:s19], [sflag:$0x1], $0x80, s18, s15, $0xb8;
	[tilespmem:$0xCC80] =	vst v63  }
0x2e: {  	_ =	swait.ge [sflag:s6], $0x2000  }
0x2f: {  	[sflag:s6] =	ssyncset.done $0x0  }
0x30: {  	[sflag:s6] =	ssyncadd.s32 $0xFFFFE000  }
0x31: {  	[spmem:s3] =	stream.indirect.scatter.add.f32 [tilespmem:s9], [sflag:$0x1], $0x80, s18, s15, $0xb8;
	[tilespmem:$0xCC80] =	vst v63  }
0x32: {  	_ =	swait.ge [sflag:s6], $0x2000  }
0x33: {  	[sflag:s6] =	ssyncset.done $0x0  }
0x34: {  	s20 =	simm.s32 $0x180;
	s21 =	simm.s32 $0x6400;
	[sflag:s6] =	ssyncadd.s32 $0xFFFFE000  }
0x35: {  	[spmem:s2] =	stream.indirect.scatter.add.f32 [tilespmem:s21], [sflag:$0x1], $0x80, s20, s15, $0xb8;
	[tilespmem:$0xCC80] =	vst v63  }
0x36: {  	_ =	swait.ge [sflag:s6], $0x2000  }
0x37: {  	[sflag:s6] =	ssyncset.done $0x0  }
0x38: {  	[sflag:s6] =	ssyncadd.s32 $0xFFFFE000  }
0x39: {  	[spmem:s3] =	stream.indirect.scatter.add.f32 [tilespmem:s9], [sflag:$0x1], $0x80, s20, s15, $0xb8;
	[tilespmem:$0xCC80] =	vst v63  }
0x3a: {  	_ =	swait.ge [sflag:s6], $0x2000  }
0x3b: {  	[sflag:s6] =	ssyncset.done $0x0  }
0x3c: {  	s22 =	simm.s32 $0x200;
	s23 =	simm.s32 $0x8400;
	[sflag:s6] =	ssyncadd.s32 $0xFFFFE000  }
0x3d: {  	[spmem:s2] =	stream.indirect.scatter.add.f32 [tilespmem:s23], [sflag:$0x1], $0x80, s22, s15, $0xb8;
	[tilespmem:$0xCC80] =	vst v63  }
0x3e: {  	_ =	swait.ge [sflag:s6], $0x2000  }
0x3f: {  	[sflag:s6] =	ssyncset.done $0x0  }
0x40: {  	s26 =	smul.u32 $0x880, s25;
	s25 =	ssub.s32 $0x2, s25;
	[sflag:s6] =	ssyncadd.s32 $0xFFFFE000  }
0x41: {  	[spmem:s3] =	stream.indirect.scatter.add.f32 [tilespmem:s9], [sflag:$0x1], $0x80, s22, s15, $0xb8;
	[tilespmem:$0xCC80] =	vst v63  }
0x42: {  	s28 =	sshrl.u32 s25, $0x1;
	_ =	swait.ge [sflag:s6], $0x2000  }
0x43: {  	s26 =	sadd.s32 s26, s24;
	s25 =	ssub.s32 s25, s28;
	[sflag:s6] =	ssyncset.done $0x0  }
0x44: {  	s28 =	smax.u32 s25, $0x1;
	s25 =	sadd.s32 $0x2F000, s26;
	[sflag:s6] =	ssyncadd.s32 $0xFFFFE000  }
0x45: {  	s24 =	sadd.s32 $0x2C200, s26;
	s26 =	sadd.s32 $0xFFFFFFFF, s28;
	[bflag:$0x0] =	sbarrier.arrive $0xFFFF  }
0x46: {  	[hbm:s24], [sflag:s13] =	dma.local @!p0 [spmem:s12], $0x880  }
0x47: {  	p1 =	sne.s32 s26, $0x0;
	_ =	swait.ge @!p0 [sflag:s11], $0x880  }
.Ltmp0:
0x48: {  	[sflag:s11] =	ssyncset.done @!p0 $0x0;
	(pc) =	sbr.rel @!p1 .LBB2_2-.Ltmp0, $4  }
0x49: {  	[sflag:s11] =	ssyncadd.s32 @!p0 $0xFFFFF780  }
0x4a: {  	[hbm:s25], [sflag:s13] =	dma.local @!p0 [spmem:s14], $0x880  }
0x4b: {  	_ =	swait.ge @!p0 [sflag:s11], $0x880  }
0x4c: {  	[sflag:s11] =	ssyncset.done @!p0 $0x0  }
.LBB2_1:
0x4d: {  	s26 =	sadd.s32 $0xFFFFFFFF, s26;
	[sflag:s11] =	ssyncadd.s32 @!p0 $0xFFFFF780  }
0x4e: {  	[tilespmem:s4], [sflag:$0x1] =	stream.linear.gather [hbm4b:s5+s4], $0x280, $0x38;
	[tilespmem:$0xCC80] =	vst v63  }
0x4f: {  	p1 =	sne.s32 s26, $0x0;
	_ =	swait.ge [sflag:s6], $0x280  }
0x50: {  	[sflag:s6] =	ssyncset.done $0x0  }
0x51: {  	[sflag:s6] =	ssyncadd.s32 $0xFFFFFD80  }
0x52: {  	[tilespmem:s8], [sflag:$0x1] =	stream.linear.gather [hbm4b:s7+s4], $0xA000, $0x38;
	[tilespmem:$0xCC80] =	vst v63  }
0x53: {  	_ =	swait.ge [sflag:s6], $0xA000  }
0x54: {  	[sflag:s6] =	ssyncset.done $0x0  }
0x55: {  	[sflag:s6] =	ssyncadd.s32 $0xFFFF6000  }
0x56: {  	[tilespmem:s9], [sflag:$0x1] =	stream.linear.gather [hbm4b:s1+s4], $0x2000, $0x38;
	[tilespmem:$0xCC80] =	vst v63  }
0x57: {  	_ =	swait.ge [sflag:s6], $0x2000  }
0x58: {  	[sflag:s6] =	ssyncset.done $0x0  }
0x59: {  	[sflag:s6] =	ssyncadd.s32 $0xFFFFE000  }
0x5a: {  	[spmem:s12], [sflag:s13] =	dma.local @!p0 [hbm:s10], $0x880  }
0x5b: {  	_ =	swait.ge @!p0 [sflag:s11], $0x880  }
0x5c: {  	[sflag:s11] =	ssyncset.done @!p0 $0x0  }
0x5d: {  	[sflag:s11] =	ssyncadd.s32 @!p0 $0xFFFFF780  }
0x5e: {  	[spmem:s14], [sflag:s13] =	dma.local @!p0 [hbm:s10], $0x880  }
0x5f: {  	_ =	swait.ge @!p0 [sflag:s11], $0x880  }
0x60: {  	[sflag:s11] =	ssyncset.done @!p0 $0x0  }
0x61: {  	[sflag:s11] =	ssyncadd.s32 @!p0 $0xFFFFF780  }
0x62: {  	[bflag:$0x0] =	sbarrier.arrive $0xFFFF  }
0x63: {  	[spmem:s2] =	stream.indirect.scatter.add.f32 [tilespmem:s8], [sflag:$0x1], $0x80, s4, s15, $0xb8;
	[tilespmem:$0xCC80] =	vst v63  }
0x64: {  	_ =	swait.ge [sflag:s6], $0x2000  }
0x65: {  	[sflag:s6] =	ssyncset.done $0x0  }
0x66: {  	[sflag:s6] =	ssyncadd.s32 $0xFFFFE000  }
0x67: {  	[spmem:s3] =	stream.indirect.scatter.add.f32 [tilespmem:s9], [sflag:$0x1], $0x80, s4, s15, $0xb8;
	[tilespmem:$0xCC80] =	vst v63  }
0x68: {  	_ =	swait.ge [sflag:s6], $0x2000  }
0x69: {  	[sflag:s6] =	ssyncset.done $0x0  }
0x6a: {  	[sflag:s6] =	ssyncadd.s32 $0xFFFFE000  }
0x6b: {  	[spmem:s2] =	stream.indirect.scatter.add.f32 [tilespmem:s17], [sflag:$0x1], $0x80, s16, s15, $0xb8;
	[tilespmem:$0xCC80] =	vst v63  }
0x6c: {  	_ =	swait.ge [sflag:s6], $0x2000  }
0x6d: {  	[sflag:s6] =	ssyncset.done $0x0  }
0x6e: {  	[sflag:s6] =	ssyncadd.s32 $0xFFFFE000  }
0x6f: {  	[spmem:s3] =	stream.indirect.scatter.add.f32 [tilespmem:s9], [sflag:$0x1], $0x80, s16, s15, $0xb8;
	[tilespmem:$0xCC80] =	vst v63  }
0x70: {  	_ =	swait.ge [sflag:s6], $0x2000  }
0x71: {  	[sflag:s6] =	ssyncset.done $0x0  }
0x72: {  	[sflag:s6] =	ssyncadd.s32 $0xFFFFE000  }
0x73: {  	[spmem:s2] =	stream.indirect.scatter.add.f32 [tilespmem:s19], [sflag:$0x1], $0x80, s18, s15, $0xb8;
	[tilespmem:$0xCC80] =	vst v63  }
0x74: {  	_ =	swait.ge [sflag:s6], $0x2000  }
0x75: {  	[sflag:s6] =	ssyncset.done $0x0  }
0x76: {  	[sflag:s6] =	ssyncadd.s32 $0xFFFFE000  }
0x77: {  	[spmem:s3] =	stream.indirect.scatter.add.f32 [tilespmem:s9], [sflag:$0x1], $0x80, s18, s15, $0xb8;
	[tilespmem:$0xCC80] =	vst v63  }
0x78: {  	_ =	swait.ge [sflag:s6], $0x2000  }
0x79: {  	[sflag:s6] =	ssyncset.done $0x0  }
0x7a: {  	[sflag:s6] =	ssyncadd.s32 $0xFFFFE000  }
0x7b: {  	[spmem:s2] =	stream.indirect.scatter.add.f32 [tilespmem:s21], [sflag:$0x1], $0x80, s20, s15, $0xb8;
	[tilespmem:$0xCC80] =	vst v63  }
0x7c: {  	_ =	swait.ge [sflag:s6], $0x2000  }
0x7d: {  	[sflag:s6] =	ssyncset.done $0x0  }
0x7e: {  	[sflag:s6] =	ssyncadd.s32 $0xFFFFE000  }
0x7f: {  	[spmem:s3] =	stream.indirect.scatter.add.f32 [tilespmem:s9], [sflag:$0x1], $0x80, s20, s15, $0xb8;
	[tilespmem:$0xCC80] =	vst v63  }
0x80: {  	_ =	swait.ge [sflag:s6], $0x2000  }
0x81: {  	[sflag:s6] =	ssyncset.done $0x0  }
0x82: {  	[sflag:s6] =	ssyncadd.s32 $0xFFFFE000  }
0x83: {  	[spmem:s2] =	stream.indirect.scatter.add.f32 [tilespmem:s23], [sflag:$0x1], $0x80, s22, s15, $0xb8;
	[tilespmem:$0xCC80] =	vst v63  }
0x84: {  	_ =	swait.ge [sflag:s6], $0x2000  }
0x85: {  	[sflag:s6] =	ssyncset.done $0x0  }
0x86: {  	[sflag:s6] =	ssyncadd.s32 $0xFFFFE000  }
0x87: {  	[spmem:s3] =	stream.indirect.scatter.add.f32 [tilespmem:s9], [sflag:$0x1], $0x80, s22, s15, $0xb8;
	[tilespmem:$0xCC80] =	vst v63  }
0x88: {  	_ =	swait.ge [sflag:s6], $0x2000  }
0x89: {  	[sflag:s6] =	ssyncset.done $0x0  }
0x8a: {  	[sflag:s6] =	ssyncadd.s32 $0xFFFFE000  }
0x8b: {  	[bflag:$0x0] =	sbarrier.arrive $0xFFFF  }
0x8c: {  	[hbm:s24], [sflag:s13] =	dma.local @!p0 [spmem:s12], $0x880  }
0x8d: {  	_ =	swait.ge @!p0 [sflag:s11], $0x880  }
.Ltmp1:
0x8e: {  	[sflag:s11] =	ssyncset.done @!p0 $0x0;
	(pc) =	sbr.rel @p1 .LBB2_1-.Ltmp1, $4  }
0x8f: {  	[sflag:s11] =	ssyncadd.s32 @!p0 $0xFFFFF780  }
0x90: {  	[hbm:s25], [sflag:s13] =	dma.local @!p0 [spmem:s14], $0x880  }
0x91: {  	_ =	swait.ge @!p0 [sflag:s11], $0x880  }
0x92: {  	[sflag:s11] =	ssyncset.done @!p0 $0x0  }
.LBB2_2:
0x93: {  	[sflag:s11] =	ssyncadd.s32 @!p0 $0xFFFFF780  }
0x94: {  	_ =	sfence.sel $0x180000  }
0x95: {  	[bflag:$0x0] =	sbarrier.arrive $0xFFFF  }
0x96: {  	_ =	strace $0x90000050  }
0x97: {  	s0 =	sadd.s32 @!p0 $0x100000, s0;
	[bflag:$0x2] =	sbarrier.arrive $0xFFFF  }
0x98: {  	[sflag:s0] =	ssyncadd.tile.s32 @!p0 $0x1;
	_ =	shalt  }
.Lfunc_end2:
_tile_overlayer_lowered:
.L_overlay_start_2:
0x99: {  	(tag) =	ssettag $0x2  }
0x9a: {  	s0 =	rddreg [dreg:$0x0];
	s2 =	stileid.u32  }
0x9b: {  	s1 =	rddreg [dreg:$0x1];
	p0 =	sne.s32 s2, $0x0  }
0x9c: {  	s3 =	rddreg [dreg:$0x2];
	[bflag:$0x3] =	sbarrier.arrive $0xFFFF;
	s2 =	simm.s32 @!p0 $0x1C01  }
0x9d: {  	[timem:s3], [sflag:s2] =	dma.local @!p0 [hbm:s0], s1  }
0x9e: {  	s0 =	simm.s32 @!p0 $0x1  }
0x9f: {  	_ =	swait.ge @!p0 [sflag:s0], s1  }
0xa0: {  	s1 =	ssub.s32 @!p0 $0x0, s1;
	[sflag:s0] =	ssyncset.done @!p0 $0x0  }
0xa1: {  	[sflag:s0] =	ssyncadd.s32 @!p0 s1  }
0xa2: {  	[bflag:$0x3] =	sbarrier.arrive $0xFFFF  }
0xa3: {  	_ =	shalt  }

</sc_bundles>
